<compile_context>
chip_gen: v7x
topology: tpu7x:2x2x1
jax: 0.10.2.dev20260603
libtpu: 0.0.44.dev20260713+nightly
codegen_flags: <defaults>
</compile_context>

<pallas_src>
import functools

import jax
import jax.numpy as jnp
from jax import lax
from jax.experimental import pallas as pl
from jax.experimental.pallas import tpu as pltpu
from jax.experimental.pallas import tpu_sc as plsc

B = 1_000_000
D = 128
V = 83
NC, NS = 2, 16
NW = NC * NS
W = 31_248
SUB = 56
N_SUB = W // SUB
NBUF = 6
GROUPS = N_SUB // NBUF
GA = 4
SL = 2
TAIL_BASE = NW * W
TAIL = B - TAIL_BASE

_mesh = plsc.VectorSubcoreMesh(core_axis_name="c", subcore_axis_name="s")


@functools.partial(
    pl.kernel,
    out_type=jax.ShapeDtypeStruct((B, D), jnp.float32),
    mesh=_mesh,
    scratch_types=[
        pltpu.VMEM((W,), jnp.int32),
        [pltpu.VMEM((SUB, D), jnp.float32) for _ in range(NBUF)],
        [pltpu.SemaphoreType.DMA for _ in range(NBUF)],
        [pltpu.SemaphoreType.DMA for _ in range(NBUF)],
        pltpu.VMEM((TAIL,), jnp.int32),
        pltpu.VMEM((TAIL, D), jnp.float32),
        pltpu.SemaphoreType.DMA,
        pltpu.VMEM_SHARED((V, D), jnp.float32),
    ],
)
def _gather_kernel(idx_hbm, table_hbm, out_hbm, idx_v, bufs, sg, ss,
                   tidx_v, trows_v, tsem, table_sh):
    wid = lax.axis_index("s") * NC + lax.axis_index("c")
    base = wid * W

    @pl.when(lax.axis_index("s") == 0)
    def _():
        pltpu.sync_copy(table_hbm, table_sh)

    plsc.subcore_barrier()

    pltpu.sync_copy(idx_hbm.at[pl.ds(base, W)], idx_v)

    def g_copy(j, b):
        return pltpu.make_async_copy(
            table_sh.at[idx_v.at[pl.ds(j * SUB, SUB)]], bufs[b], sg[b])

    def s_copy(j, b):
        return pltpu.make_async_copy(
            bufs[b], out_hbm.at[pl.ds(base + j * SUB, SUB)], ss[b])

    for j in range(GA):
        g_copy(j, j % NBUF).start()

    def step(b, jj):
        @pl.when(jj >= SL)
        def _():
            s_copy(jj - SL, (b - SL) % NBUF).wait()

        @pl.when(jj + GA < N_SUB)
        def _():
            g_copy(jj + GA, (b + GA) % NBUF).start()

        g_copy(jj, b).wait()
        s_copy(jj, b).start()

    def group(jo, carry):
        for b in range(NBUF):
            step(b, jo * NBUF + b)
        return carry

    lax.fori_loop(0, GROUPS, group, 0)

    for j in range(N_SUB - SL, N_SUB):
        s_copy(j, j % NBUF).wait()

    @pl.when(wid == 0)
    def _():
        pltpu.sync_copy(idx_hbm.at[pl.ds(TAIL_BASE, TAIL)], tidx_v)
        pltpu.async_copy(table_sh.at[tidx_v], trows_v, tsem).wait()
        pltpu.sync_copy(trows_v, out_hbm.at[pl.ds(TAIL_BASE, TAIL)])


def kernel(atom_number, embedding_list):
    return _gather_kernel(atom_number, embedding_list)

# --- scband reference (transcript-rebuilt; emitter-appended) ---
"""Pipeline reference for scband-dtnnembedding-28982439313939 (READ-ONLY COPY).

The authoritative reference and input builder live on the scoring server;
editing this copy changes nothing except your own understanding.
"""

import jax, jax.numpy as jnp
import numpy as np

N_EMBEDDING = 128
PERIODIC_TABLE_LENGTH = 83
N_ATOMS = 1000000

def glorot_uniform(key, shape):
    fan_in, fan_out = shape[0], shape[1]
    limit = np.sqrt(6.0 / (fan_in + fan_out))
    return jax.random.uniform(key, shape, dtype=jnp.float32, minval=-limit, maxval=limit)

def setup_inputs(seed: int = 0) -> dict:
    key = jax.random.key(seed)
    k_idx, k_emb = jax.random.split(key)
    atom_number = jax.random.randint(k_idx, (N_ATOMS,), 0, PERIODIC_TABLE_LENGTH, dtype=jnp.int64 if jax.config.jax_enable_x64 else jnp.int32).astype(jnp.int32)
    embedding_list = glorot_uniform(k_emb, (PERIODIC_TABLE_LENGTH, N_EMBEDDING))
    return {"atom_number": atom_number, "embedding_list": embedding_list}

def reference(atom_number, embedding_list):
    # tf.nn.embedding_lookup(embedding_list, atom_number)
    atom_features = jnp.take(embedding_list, atom_number, axis=0)
    return atom_features

if __name__ == "__main__":
    import jax
    _d = setup_inputs()
    print(jax.jit(kernel)(*tuple(_d.values())))

</pallas_src>

<mosaic_0001>
#map = affine_map<(d0, d1) -> (0)>
#map1 = affine_map<(d0, d1) -> (0, 0)>
module attributes {stable_mosaic.version = 14 : i64} {
  func.func @_gather_kernel(%arg0: i32, %arg1: i32, %arg2: memref<1000000xi32, #tpu.memory_space<hbm>>, %arg3: memref<83x128xf32, #tpu.memory_space<hbm>>, %arg4: memref<1000000x128xf32, #tpu.memory_space<hbm>>, %arg5: memref<31248xi32, #tpu.memory_space<vmem>>, %arg6: memref<56x128xf32, #tpu.memory_space<vmem>>, %arg7: memref<56x128xf32, #tpu.memory_space<vmem>>, %arg8: memref<56x128xf32, #tpu.memory_space<vmem>>, %arg9: memref<56x128xf32, #tpu.memory_space<vmem>>, %arg10: memref<56x128xf32, #tpu.memory_space<vmem>>, %arg11: memref<56x128xf32, #tpu.memory_space<vmem>>, %arg12: memref<!tpu.dma_semaphore, #tpu.memory_space<semaphore_mem>>, %arg13: memref<!tpu.dma_semaphore, #tpu.memory_space<semaphore_mem>>, %arg14: memref<!tpu.dma_semaphore, #tpu.memory_space<semaphore_mem>>, %arg15: memref<!tpu.dma_semaphore, #tpu.memory_space<semaphore_mem>>, %arg16: memref<!tpu.dma_semaphore, #tpu.memory_space<semaphore_mem>>, %arg17: memref<!tpu.dma_semaphore, #tpu.memory_space<semaphore_mem>>, %arg18: memref<!tpu.dma_semaphore, #tpu.memory_space<semaphore_mem>>, %arg19: memref<!tpu.dma_semaphore, #tpu.memory_space<semaphore_mem>>, %arg20: memref<!tpu.dma_semaphore, #tpu.memory_space<semaphore_mem>>, %arg21: memref<!tpu.dma_semaphore, #tpu.memory_space<semaphore_mem>>, %arg22: memref<!tpu.dma_semaphore, #tpu.memory_space<semaphore_mem>>, %arg23: memref<!tpu.dma_semaphore, #tpu.memory_space<semaphore_mem>>, %arg24: memref<64xi32, #tpu.memory_space<vmem>>, %arg25: memref<64x128xf32, #tpu.memory_space<vmem>>, %arg26: memref<!tpu.dma_semaphore, #tpu.memory_space<semaphore_mem>>, %arg27: memref<83x128xf32, #tpu.memory_space<vmem_shared>>) attributes {dimension_semantics = [#tpu.dimension_semantics<core_parallel>, #tpu.dimension_semantics<subcore_parallel>], iteration_bounds = array<i64: 2, 16>, scalar_prefetch = 0 : i64, scratch_operands = 23 : i64, tpu.core_type = #tpu.core_type<sc_vector_subcore>, window_params = [{transform_indices = #map}, {transform_indices = #map1}, {transform_indices = #map1}]} {
    %mul3A = arith.constant 2 : i32
    %mul3A_0 = arith.muli %arg1, %mul3A : i32
    %add3A = arith.addi %mul3A_0, %arg0 : i32
    %mul3A_1 = arith.constant 31248 : i32
    %mul3A_2 = arith.muli %add3A, %mul3A_1 : i32
    %eq3A = arith.constant 0 : i32
    %eq3A_3 = arith.cmpi eq, %arg1, %eq3A : i32
    %convert_element_type3A = arith.extui %eq3A_3 : i1 to i32
    %cond3A = arith.constant 0 : i32
    %cond3A_4 = arith.cmpi ne, %convert_element_type3A, %cond3A : i32
    scf.if %cond3A_4 {
      "tpu.region"() ({
        %run_scoped3A = tpu.sem_alloc : memref<!tpu.dma_semaphore, #tpu.memory_space<semaphore_mem>>
        tpu.enqueue_dma source(%arg3 : memref<83x128xf32, #tpu.memory_space<hbm>>) target(%arg27 : memref<83x128xf32, #tpu.memory_space<vmem_shared>>) target_semaphore(%run_scoped3A : memref<!tpu.dma_semaphore, #tpu.memory_space<semaphore_mem>>)
        tpu.wait_dma2 semaphore(%run_scoped3A : memref<!tpu.dma_semaphore, #tpu.memory_space<semaphore_mem>>) src(%arg3 : memref<83x128xf32, #tpu.memory_space<hbm>>) dst(%arg27 : memref<83x128xf32, #tpu.memory_space<vmem_shared>>)
        tpu.yield
      }) : () -> ()
    } else {
    }
    %barrier3A = arith.constant 0 : index
    tpu.barrier barrier_id(%barrier3A)
    "tpu.region"() ({
      %run_scoped3A = tpu.sem_alloc : memref<!tpu.dma_semaphore, #tpu.memory_space<semaphore_mem>>
      %dma_start3A_45 = tpu.memref_slice %arg2[%mul3A_2] : memref<1000000xi32, #tpu.memory_space<hbm>> -> memref<31248xi32, #tpu.memory_space<hbm>>
      %dma_start3A_46 = tpu.memref_slice %arg2[%mul3A_2] : memref<1000000xi32, #tpu.memory_space<hbm>> -> memref<31248xi32, #tpu.memory_space<hbm>>
      tpu.enqueue_dma source(%dma_start3A_46 : memref<31248xi32, #tpu.memory_space<hbm>>) target(%arg5 : memref<31248xi32, #tpu.memory_space<vmem>>) target_semaphore(%run_scoped3A : memref<!tpu.dma_semaphore, #tpu.memory_space<semaphore_mem>>)
      %dma_wait3A_47 = tpu.memref_slice %arg2[%mul3A_2] : memref<1000000xi32, #tpu.memory_space<hbm>> -> memref<31248xi32, #tpu.memory_space<hbm>>
      %dma_wait3A_48 = tpu.memref_slice %arg2[%mul3A_2] : memref<1000000xi32, #tpu.memory_space<hbm>> -> memref<31248xi32, #tpu.memory_space<hbm>>
      tpu.wait_dma2 semaphore(%run_scoped3A : memref<!tpu.dma_semaphore, #tpu.memory_space<semaphore_mem>>) src(%dma_wait3A_48 : memref<31248xi32, #tpu.memory_space<hbm>>) dst(%arg5 : memref<31248xi32, #tpu.memory_space<vmem>>)
      tpu.yield
    }) : () -> ()
    %dma_start3A = arith.constant 0 : i32
    %dma_start3A_5 = tpu.memref_slice %arg5[%dma_start3A] : memref<31248xi32, #tpu.memory_space<vmem>> -> memref<56xi32, #tpu.memory_space<vmem>>
    %dma_start3A_6 = arith.constant 0 : i32
    %dma_start3A_7 = arith.constant 0 : i32
    %dma_start3A_8 = tpu.memref_slice %arg27[%dma_start3A_6, %dma_start3A_7] : memref<83x128xf32, #tpu.memory_space<vmem_shared>> -> memref<83x128xf32, #tpu.memory_space<vmem_shared>>
    tpu.enqueue_indirect_dma source(%dma_start3A_8 : memref<83x128xf32, #tpu.memory_space<vmem_shared>>) target(%arg6 : memref<56x128xf32, #tpu.memory_space<vmem>>) offsets(%dma_start3A_5 : memref<56xi32, #tpu.memory_space<vmem>>) semaphore(%arg12 : memref<!tpu.dma_semaphore, #tpu.memory_space<semaphore_mem>>)
    %dma_start3A_9 = arith.constant 56 : i32
    %dma_start3A_10 = tpu.memref_slice %arg5[%dma_start3A_9] : memref<31248xi32, #tpu.memory_space<vmem>> -> memref<56xi32, #tpu.memory_space<vmem>>
    %dma_start3A_11 = arith.constant 0 : i32
    %dma_start3A_12 = arith.constant 0 : i32
    %dma_start3A_13 = tpu.memref_slice %arg27[%dma_start3A_11, %dma_start3A_12] : memref<83x128xf32, #tpu.memory_space<vmem_shared>> -> memref<83x128xf32, #tpu.memory_space<vmem_shared>>
    tpu.enqueue_indirect_dma source(%dma_start3A_13 : memref<83x128xf32, #tpu.memory_space<vmem_shared>>) target(%arg7 : memref<56x128xf32, #tpu.memory_space<vmem>>) offsets(%dma_start3A_10 : memref<56xi32, #tpu.memory_space<vmem>>) semaphore(%arg13 : memref<!tpu.dma_semaphore, #tpu.memory_space<semaphore_mem>>)
    %dma_start3A_14 = arith.constant 112 : i32
    %dma_start3A_15 = tpu.memref_slice %arg5[%dma_start3A_14] : memref<31248xi32, #tpu.memory_space<vmem>> -> memref<56xi32, #tpu.memory_space<vmem>>
    %dma_start3A_16 = arith.constant 0 : i32
    %dma_start3A_17 = arith.constant 0 : i32
    %dma_start3A_18 = tpu.memref_slice %arg27[%dma_start3A_16, %dma_start3A_17] : memref<83x128xf32, #tpu.memory_space<vmem_shared>> -> memref<83x128xf32, #tpu.memory_space<vmem_shared>>
    tpu.enqueue_indirect_dma source(%dma_start3A_18 : memref<83x128xf32, #tpu.memory_space<vmem_shared>>) target(%arg8 : memref<56x128xf32, #tpu.memory_space<vmem>>) offsets(%dma_start3A_15 : memref<56xi32, #tpu.memory_space<vmem>>) semaphore(%arg14 : memref<!tpu.dma_semaphore, #tpu.memory_space<semaphore_mem>>)
    %dma_start3A_19 = arith.constant 168 : i32
    %dma_start3A_20 = tpu.memref_slice %arg5[%dma_start3A_19] : memref<31248xi32, #tpu.memory_space<vmem>> -> memref<56xi32, #tpu.memory_space<vmem>>
    %dma_start3A_21 = arith.constant 0 : i32
    %dma_start3A_22 = arith.constant 0 : i32
    %dma_start3A_23 = tpu.memref_slice %arg27[%dma_start3A_21, %dma_start3A_22] : memref<83x128xf32, #tpu.memory_space<vmem_shared>> -> memref<83x128xf32, #tpu.memory_space<vmem_shared>>
    tpu.enqueue_indirect_dma source(%dma_start3A_23 : memref<83x128xf32, #tpu.memory_space<vmem_shared>>) target(%arg9 : memref<56x128xf32, #tpu.memory_space<vmem>>) offsets(%dma_start3A_20 : memref<56xi32, #tpu.memory_space<vmem>>) semaphore(%arg15 : memref<!tpu.dma_semaphore, #tpu.memory_space<semaphore_mem>>)
    %scan3A = arith.constant 0 : i32
    %scan3A_24 = arith.constant 0 : i32
    %scan3A_25 = arith.constant 93 : i32
    %scan3A_26 = arith.addi %scan3A_24, %scan3A_25 : i32
    %scan3A_27 = arith.constant 1 : i32
    scf.for %scan3A_45 = %scan3A_24 to %scan3A_26 step %scan3A_27  : i32 {
      %mul3A_46 = arith.constant 6 : i32
      %mul3A_47 = arith.muli %scan3A_45, %mul3A_46 : i32
      %add3A_48 = arith.constant 0 : i32
      %add3A_49 = arith.addi %mul3A_47, %add3A_48 : i32
      %ge3A = arith.constant 2 : i32
      %ge3A_50 = arith.cmpi sge, %add3A_49, %ge3A : i32
      %convert_element_type3A_51 = arith.extui %ge3A_50 : i1 to i32
      %cond3A_52 = arith.constant 0 : i32
      %cond3A_53 = arith.cmpi ne, %convert_element_type3A_51, %cond3A_52 : i32
      scf.if %cond3A_53 {
        %sub3A = arith.constant 2 : i32
        %sub3A_218 = arith.subi %add3A_49, %sub3A : i32
        %mul3A_219 = arith.constant 56 : i32
        %mul3A_220 = arith.muli %sub3A_218, %mul3A_219 : i32
        %add3A_221 = arith.addi %mul3A_2, %mul3A_220 : i32
        %dma_wait3A_222 = arith.constant 0 : i32
        %dma_wait3A_223 = tpu.memref_slice %arg4[%add3A_221, %dma_wait3A_222] : memref<1000000x128xf32, #tpu.memory_space<hbm>> -> memref<56x128xf32, #tpu.memory_space<hbm>>
        %dma_wait3A_224 = arith.constant 0 : i32
        %dma_wait3A_225 = tpu.memref_slice %arg4[%add3A_221, %dma_wait3A_224] : memref<1000000x128xf32, #tpu.memory_space<hbm>> -> memref<56x128xf32, #tpu.memory_space<hbm>>
        tpu.wait_dma2 semaphore(%arg22 : memref<!tpu.dma_semaphore, #tpu.memory_space<semaphore_mem>>) src(%arg10 : memref<56x128xf32, #tpu.memory_space<vmem>>) dst(%dma_wait3A_225 : memref<56x128xf32, #tpu.memory_space<hbm>>)
      } else {
      }
      %add3A_54 = arith.constant 4 : i32
      %add3A_55 = arith.addi %add3A_49, %add3A_54 : i32
      %lt3A = arith.constant 558 : i32
      %lt3A_56 = arith.cmpi slt, %add3A_55, %lt3A : i32
      %convert_element_type3A_57 = arith.extui %lt3A_56 : i1 to i32
      %cond3A_58 = arith.constant 0 : i32
      %cond3A_59 = arith.cmpi ne, %convert_element_type3A_57, %cond3A_58 : i32
      scf.if %cond3A_59 {
        %add3A_218 = arith.constant 4 : i32
        %add3A_219 = arith.addi %add3A_49, %add3A_218 : i32
        %mul3A_220 = arith.constant 56 : i32
        %mul3A_221 = arith.muli %add3A_219, %mul3A_220 : i32
        %dma_start3A_222 = tpu.memref_slice %arg5[%mul3A_221] : memref<31248xi32, #tpu.memory_space<vmem>> -> memref<56xi32, #tpu.memory_space<vmem>>
        %dma_start3A_223 = arith.constant 0 : i32
        %dma_start3A_224 = arith.constant 0 : i32
        %dma_start3A_225 = tpu.memref_slice %arg27[%dma_start3A_223, %dma_start3A_224] : memref<83x128xf32, #tpu.memory_space<vmem_shared>> -> memref<83x128xf32, #tpu.memory_space<vmem_shared>>
        tpu.enqueue_indirect_dma source(%dma_start3A_225 : memref<83x128xf32, #tpu.memory_space<vmem_shared>>) target(%arg10 : memref<56x128xf32, #tpu.memory_space<vmem>>) offsets(%dma_start3A_222 : memref<56xi32, #tpu.memory_space<vmem>>) semaphore(%arg16 : memref<!tpu.dma_semaphore, #tpu.memory_space<semaphore_mem>>)
      } else {
      }
      %mul3A_60 = arith.constant 56 : i32
      %mul3A_61 = arith.muli %add3A_49, %mul3A_60 : i32
      %dma_wait3A_62 = tpu.memref_slice %arg5[%mul3A_61] : memref<31248xi32, #tpu.memory_space<vmem>> -> memref<56xi32, #tpu.memory_space<vmem>>
      %dma_wait3A_63 = arith.constant 0 : i32
      %dma_wait3A_64 = arith.constant 0 : i32
      %dma_wait3A_65 = tpu.memref_slice %arg27[%dma_wait3A_63, %dma_wait3A_64] : memref<83x128xf32, #tpu.memory_space<vmem_shared>> -> memref<83x128xf32, #tpu.memory_space<vmem_shared>>
      tpu.wait_indirect_dma semaphore(%arg12 : memref<!tpu.dma_semaphore, #tpu.memory_space<semaphore_mem>>) src(%dma_wait3A_65 : memref<83x128xf32, #tpu.memory_space<vmem_shared>>) dst(%arg6 : memref<56x128xf32, #tpu.memory_space<vmem>>)
      %mul3A_66 = arith.constant 56 : i32
      %mul3A_67 = arith.muli %add3A_49, %mul3A_66 : i32
      %add3A_68 = arith.addi %mul3A_2, %mul3A_67 : i32
      %dma_start3A_69 = arith.constant 0 : i32
      %dma_start3A_70 = tpu.memref_slice %arg4[%add3A_68, %dma_start3A_69] : memref<1000000x128xf32, #tpu.memory_space<hbm>> -> memref<56x128xf32, #tpu.memory_space<hbm>>
      %dma_start3A_71 = arith.constant 0 : i32
      %dma_start3A_72 = tpu.memref_slice %arg4[%add3A_68, %dma_start3A_71] : memref<1000000x128xf32, #tpu.memory_space<hbm>> -> memref<56x128xf32, #tpu.memory_space<hbm>>
      tpu.enqueue_dma source(%arg6 : memref<56x128xf32, #tpu.memory_space<vmem>>) target(%dma_start3A_72 : memref<56x128xf32, #tpu.memory_space<hbm>>) target_semaphore(%arg18 : memref<!tpu.dma_semaphore, #tpu.memory_space<semaphore_mem>>)
      %mul3A_73 = arith.constant 6 : i32
      %mul3A_74 = arith.muli %scan3A_45, %mul3A_73 : i32
      %add3A_75 = arith.constant 1 : i32
      %add3A_76 = arith.addi %mul3A_74, %add3A_75 : i32
      %ge3A_77 = arith.constant 2 : i32
      %ge3A_78 = arith.cmpi sge, %add3A_76, %ge3A_77 : i32
      %convert_element_type3A_79 = arith.extui %ge3A_78 : i1 to i32
      %cond3A_80 = arith.constant 0 : i32
      %cond3A_81 = arith.cmpi ne, %convert_element_type3A_79, %cond3A_80 : i32
      scf.if %cond3A_81 {
        %sub3A = arith.constant 2 : i32
        %sub3A_218 = arith.subi %add3A_76, %sub3A : i32
        %mul3A_219 = arith.constant 56 : i32
        %mul3A_220 = arith.muli %sub3A_218, %mul3A_219 : i32
        %add3A_221 = arith.addi %mul3A_2, %mul3A_220 : i32
        %dma_wait3A_222 = arith.constant 0 : i32
        %dma_wait3A_223 = tpu.memref_slice %arg4[%add3A_221, %dma_wait3A_222] : memref<1000000x128xf32, #tpu.memory_space<hbm>> -> memref<56x128xf32, #tpu.memory_space<hbm>>
        %dma_wait3A_224 = arith.constant 0 : i32
        %dma_wait3A_225 = tpu.memref_slice %arg4[%add3A_221, %dma_wait3A_224] : memref<1000000x128xf32, #tpu.memory_space<hbm>> -> memref<56x128xf32, #tpu.memory_space<hbm>>
        tpu.wait_dma2 semaphore(%arg23 : memref<!tpu.dma_semaphore, #tpu.memory_space<semaphore_mem>>) src(%arg11 : memref<56x128xf32, #tpu.memory_space<vmem>>) dst(%dma_wait3A_225 : memref<56x128xf32, #tpu.memory_space<hbm>>)
      } else {
      }
      %add3A_82 = arith.constant 4 : i32
      %add3A_83 = arith.addi %add3A_76, %add3A_82 : i32
      %lt3A_84 = arith.constant 558 : i32
      %lt3A_85 = arith.cmpi slt, %add3A_83, %lt3A_84 : i32
      %convert_element_type3A_86 = arith.extui %lt3A_85 : i1 to i32
      %cond3A_87 = arith.constant 0 : i32
      %cond3A_88 = arith.cmpi ne, %convert_element_type3A_86, %cond3A_87 : i32
      scf.if %cond3A_88 {
        %add3A_218 = arith.constant 4 : i32
        %add3A_219 = arith.addi %add3A_76, %add3A_218 : i32
        %mul3A_220 = arith.constant 56 : i32
        %mul3A_221 = arith.muli %add3A_219, %mul3A_220 : i32
        %dma_start3A_222 = tpu.memref_slice %arg5[%mul3A_221] : memref<31248xi32, #tpu.memory_space<vmem>> -> memref<56xi32, #tpu.memory_space<vmem>>
        %dma_start3A_223 = arith.constant 0 : i32
        %dma_start3A_224 = arith.constant 0 : i32
        %dma_start3A_225 = tpu.memref_slice %arg27[%dma_start3A_223, %dma_start3A_224] : memref<83x128xf32, #tpu.memory_space<vmem_shared>> -> memref<83x128xf32, #tpu.memory_space<vmem_shared>>
        tpu.enqueue_indirect_dma source(%dma_start3A_225 : memref<83x128xf32, #tpu.memory_space<vmem_shared>>) target(%arg11 : memref<56x128xf32, #tpu.memory_space<vmem>>) offsets(%dma_start3A_222 : memref<56xi32, #tpu.memory_space<vmem>>) semaphore(%arg17 : memref<!tpu.dma_semaphore, #tpu.memory_space<semaphore_mem>>)
      } else {
      }
      %mul3A_89 = arith.constant 56 : i32
      %mul3A_90 = arith.muli %add3A_76, %mul3A_89 : i32
      %dma_wait3A_91 = tpu.memref_slice %arg5[%mul3A_90] : memref<31248xi32, #tpu.memory_space<vmem>> -> memref<56xi32, #tpu.memory_space<vmem>>
      %dma_wait3A_92 = arith.constant 0 : i32
      %dma_wait3A_93 = arith.constant 0 : i32
      %dma_wait3A_94 = tpu.memref_slice %arg27[%dma_wait3A_92, %dma_wait3A_93] : memref<83x128xf32, #tpu.memory_space<vmem_shared>> -> memref<83x128xf32, #tpu.memory_space<vmem_shared>>
      tpu.wait_indirect_dma semaphore(%arg13 : memref<!tpu.dma_semaphore, #tpu.memory_space<semaphore_mem>>) src(%dma_wait3A_94 : memref<83x128xf32, #tpu.memory_space<vmem_shared>>) dst(%arg7 : memref<56x128xf32, #tpu.memory_space<vmem>>)
      %mul3A_95 = arith.constant 56 : i32
      %mul3A_96 = arith.muli %add3A_76, %mul3A_95 : i32
      %add3A_97 = arith.addi %mul3A_2, %mul3A_96 : i32
      %dma_start3A_98 = arith.constant 0 : i32
      %dma_start3A_99 = tpu.memref_slice %arg4[%add3A_97, %dma_start3A_98] : memref<1000000x128xf32, #tpu.memory_space<hbm>> -> memref<56x128xf32, #tpu.memory_space<hbm>>
      %dma_start3A_100 = arith.constant 0 : i32
      %dma_start3A_101 = tpu.memref_slice %arg4[%add3A_97, %dma_start3A_100] : memref<1000000x128xf32, #tpu.memory_space<hbm>> -> memref<56x128xf32, #tpu.memory_space<hbm>>
      tpu.enqueue_dma source(%arg7 : memref<56x128xf32, #tpu.memory_space<vmem>>) target(%dma_start3A_101 : memref<56x128xf32, #tpu.memory_space<hbm>>) target_semaphore(%arg19 : memref<!tpu.dma_semaphore, #tpu.memory_space<semaphore_mem>>)
      %mul3A_102 = arith.constant 6 : i32
      %mul3A_103 = arith.muli %scan3A_45, %mul3A_102 : i32
      %add3A_104 = arith.constant 2 : i32
      %add3A_105 = arith.addi %mul3A_103, %add3A_104 : i32
      %ge3A_106 = arith.constant 2 : i32
      %ge3A_107 = arith.cmpi sge, %add3A_105, %ge3A_106 : i32
      %convert_element_type3A_108 = arith.extui %ge3A_107 : i1 to i32
      %cond3A_109 = arith.constant 0 : i32
      %cond3A_110 = arith.cmpi ne, %convert_element_type3A_108, %cond3A_109 : i32
      scf.if %cond3A_110 {
        %sub3A = arith.constant 2 : i32
        %sub3A_218 = arith.subi %add3A_105, %sub3A : i32
        %mul3A_219 = arith.constant 56 : i32
        %mul3A_220 = arith.muli %sub3A_218, %mul3A_219 : i32
        %add3A_221 = arith.addi %mul3A_2, %mul3A_220 : i32
        %dma_wait3A_222 = arith.constant 0 : i32
        %dma_wait3A_223 = tpu.memref_slice %arg4[%add3A_221, %dma_wait3A_222] : memref<1000000x128xf32, #tpu.memory_space<hbm>> -> memref<56x128xf32, #tpu.memory_space<hbm>>
        %dma_wait3A_224 = arith.constant 0 : i32
        %dma_wait3A_225 = tpu.memref_slice %arg4[%add3A_221, %dma_wait3A_224] : memref<1000000x128xf32, #tpu.memory_space<hbm>> -> memref<56x128xf32, #tpu.memory_space<hbm>>
        tpu.wait_dma2 semaphore(%arg18 : memref<!tpu.dma_semaphore, #tpu.memory_space<semaphore_mem>>) src(%arg6 : memref<56x128xf32, #tpu.memory_space<vmem>>) dst(%dma_wait3A_225 : memref<56x128xf32, #tpu.memory_space<hbm>>)
      } else {
      }
      %add3A_111 = arith.constant 4 : i32
      %add3A_112 = arith.addi %add3A_105, %add3A_111 : i32
      %lt3A_113 = arith.constant 558 : i32
      %lt3A_114 = arith.cmpi slt, %add3A_112, %lt3A_113 : i32
      %convert_element_type3A_115 = arith.extui %lt3A_114 : i1 to i32
      %cond3A_116 = arith.constant 0 : i32
      %cond3A_117 = arith.cmpi ne, %convert_element_type3A_115, %cond3A_116 : i32
      scf.if %cond3A_117 {
        %add3A_218 = arith.constant 4 : i32
        %add3A_219 = arith.addi %add3A_105, %add3A_218 : i32
        %mul3A_220 = arith.constant 56 : i32
        %mul3A_221 = arith.muli %add3A_219, %mul3A_220 : i32
        %dma_start3A_222 = tpu.memref_slice %arg5[%mul3A_221] : memref<31248xi32, #tpu.memory_space<vmem>> -> memref<56xi32, #tpu.memory_space<vmem>>
        %dma_start3A_223 = arith.constant 0 : i32
        %dma_start3A_224 = arith.constant 0 : i32
        %dma_start3A_225 = tpu.memref_slice %arg27[%dma_start3A_223, %dma_start3A_224] : memref<83x128xf32, #tpu.memory_space<vmem_shared>> -> memref<83x128xf32, #tpu.memory_space<vmem_shared>>
        tpu.enqueue_indirect_dma source(%dma_start3A_225 : memref<83x128xf32, #tpu.memory_space<vmem_shared>>) target(%arg6 : memref<56x128xf32, #tpu.memory_space<vmem>>) offsets(%dma_start3A_222 : memref<56xi32, #tpu.memory_space<vmem>>) semaphore(%arg12 : memref<!tpu.dma_semaphore, #tpu.memory_space<semaphore_mem>>)
      } else {
      }
      %mul3A_118 = arith.constant 56 : i32
      %mul3A_119 = arith.muli %add3A_105, %mul3A_118 : i32
      %dma_wait3A_120 = tpu.memref_slice %arg5[%mul3A_119] : memref<31248xi32, #tpu.memory_space<vmem>> -> memref<56xi32, #tpu.memory_space<vmem>>
      %dma_wait3A_121 = arith.constant 0 : i32
      %dma_wait3A_122 = arith.constant 0 : i32
      %dma_wait3A_123 = tpu.memref_slice %arg27[%dma_wait3A_121, %dma_wait3A_122] : memref<83x128xf32, #tpu.memory_space<vmem_shared>> -> memref<83x128xf32, #tpu.memory_space<vmem_shared>>
      tpu.wait_indirect_dma semaphore(%arg14 : memref<!tpu.dma_semaphore, #tpu.memory_space<semaphore_mem>>) src(%dma_wait3A_123 : memref<83x128xf32, #tpu.memory_space<vmem_shared>>) dst(%arg8 : memref<56x128xf32, #tpu.memory_space<vmem>>)
      %mul3A_124 = arith.constant 56 : i32
      %mul3A_125 = arith.muli %add3A_105, %mul3A_124 : i32
      %add3A_126 = arith.addi %mul3A_2, %mul3A_125 : i32
      %dma_start3A_127 = arith.constant 0 : i32
      %dma_start3A_128 = tpu.memref_slice %arg4[%add3A_126, %dma_start3A_127] : memref<1000000x128xf32, #tpu.memory_space<hbm>> -> memref<56x128xf32, #tpu.memory_space<hbm>>
      %dma_start3A_129 = arith.constant 0 : i32
      %dma_start3A_130 = tpu.memref_slice %arg4[%add3A_126, %dma_start3A_129] : memref<1000000x128xf32, #tpu.memory_space<hbm>> -> memref<56x128xf32, #tpu.memory_space<hbm>>
      tpu.enqueue_dma source(%arg8 : memref<56x128xf32, #tpu.memory_space<vmem>>) target(%dma_start3A_130 : memref<56x128xf32, #tpu.memory_space<hbm>>) target_semaphore(%arg20 : memref<!tpu.dma_semaphore, #tpu.memory_space<semaphore_mem>>)
      %mul3A_131 = arith.constant 6 : i32
      %mul3A_132 = arith.muli %scan3A_45, %mul3A_131 : i32
      %add3A_133 = arith.constant 3 : i32
      %add3A_134 = arith.addi %mul3A_132, %add3A_133 : i32
      %ge3A_135 = arith.constant 2 : i32
      %ge3A_136 = arith.cmpi sge, %add3A_134, %ge3A_135 : i32
      %convert_element_type3A_137 = arith.extui %ge3A_136 : i1 to i32
      %cond3A_138 = arith.constant 0 : i32
      %cond3A_139 = arith.cmpi ne, %convert_element_type3A_137, %cond3A_138 : i32
      scf.if %cond3A_139 {
        %sub3A = arith.constant 2 : i32
        %sub3A_218 = arith.subi %add3A_134, %sub3A : i32
        %mul3A_219 = arith.constant 56 : i32
        %mul3A_220 = arith.muli %sub3A_218, %mul3A_219 : i32
        %add3A_221 = arith.addi %mul3A_2, %mul3A_220 : i32
        %dma_wait3A_222 = arith.constant 0 : i32
        %dma_wait3A_223 = tpu.memref_slice %arg4[%add3A_221, %dma_wait3A_222] : memref<1000000x128xf32, #tpu.memory_space<hbm>> -> memref<56x128xf32, #tpu.memory_space<hbm>>
        %dma_wait3A_224 = arith.constant 0 : i32
        %dma_wait3A_225 = tpu.memref_slice %arg4[%add3A_221, %dma_wait3A_224] : memref<1000000x128xf32, #tpu.memory_space<hbm>> -> memref<56x128xf32, #tpu.memory_space<hbm>>
        tpu.wait_dma2 semaphore(%arg19 : memref<!tpu.dma_semaphore, #tpu.memory_space<semaphore_mem>>) src(%arg7 : memref<56x128xf32, #tpu.memory_space<vmem>>) dst(%dma_wait3A_225 : memref<56x128xf32, #tpu.memory_space<hbm>>)
      } else {
      }
      %add3A_140 = arith.constant 4 : i32
      %add3A_141 = arith.addi %add3A_134, %add3A_140 : i32
      %lt3A_142 = arith.constant 558 : i32
      %lt3A_143 = arith.cmpi slt, %add3A_141, %lt3A_142 : i32
      %convert_element_type3A_144 = arith.extui %lt3A_143 : i1 to i32
      %cond3A_145 = arith.constant 0 : i32
      %cond3A_146 = arith.cmpi ne, %convert_element_type3A_144, %cond3A_145 : i32
      scf.if %cond3A_146 {
        %add3A_218 = arith.constant 4 : i32
        %add3A_219 = arith.addi %add3A_134, %add3A_218 : i32
        %mul3A_220 = arith.constant 56 : i32
        %mul3A_221 = arith.muli %add3A_219, %mul3A_220 : i32
        %dma_start3A_222 = tpu.memref_slice %arg5[%mul3A_221] : memref<31248xi32, #tpu.memory_space<vmem>> -> memref<56xi32, #tpu.memory_space<vmem>>
        %dma_start3A_223 = arith.constant 0 : i32
        %dma_start3A_224 = arith.constant 0 : i32
        %dma_start3A_225 = tpu.memref_slice %arg27[%dma_start3A_223, %dma_start3A_224] : memref<83x128xf32, #tpu.memory_space<vmem_shared>> -> memref<83x128xf32, #tpu.memory_space<vmem_shared>>
        tpu.enqueue_indirect_dma source(%dma_start3A_225 : memref<83x128xf32, #tpu.memory_space<vmem_shared>>) target(%arg7 : memref<56x128xf32, #tpu.memory_space<vmem>>) offsets(%dma_start3A_222 : memref<56xi32, #tpu.memory_space<vmem>>) semaphore(%arg13 : memref<!tpu.dma_semaphore, #tpu.memory_space<semaphore_mem>>)
      } else {
      }
      %mul3A_147 = arith.constant 56 : i32
      %mul3A_148 = arith.muli %add3A_134, %mul3A_147 : i32
      %dma_wait3A_149 = tpu.memref_slice %arg5[%mul3A_148] : memref<31248xi32, #tpu.memory_space<vmem>> -> memref<56xi32, #tpu.memory_space<vmem>>
      %dma_wait3A_150 = arith.constant 0 : i32
      %dma_wait3A_151 = arith.constant 0 : i32
      %dma_wait3A_152 = tpu.memref_slice %arg27[%dma_wait3A_150, %dma_wait3A_151] : memref<83x128xf32, #tpu.memory_space<vmem_shared>> -> memref<83x128xf32, #tpu.memory_space<vmem_shared>>
      tpu.wait_indirect_dma semaphore(%arg15 : memref<!tpu.dma_semaphore, #tpu.memory_space<semaphore_mem>>) src(%dma_wait3A_152 : memref<83x128xf32, #tpu.memory_space<vmem_shared>>) dst(%arg9 : memref<56x128xf32, #tpu.memory_space<vmem>>)
      %mul3A_153 = arith.constant 56 : i32
      %mul3A_154 = arith.muli %add3A_134, %mul3A_153 : i32
      %add3A_155 = arith.addi %mul3A_2, %mul3A_154 : i32
      %dma_start3A_156 = arith.constant 0 : i32
      %dma_start3A_157 = tpu.memref_slice %arg4[%add3A_155, %dma_start3A_156] : memref<1000000x128xf32, #tpu.memory_space<hbm>> -> memref<56x128xf32, #tpu.memory_space<hbm>>
      %dma_start3A_158 = arith.constant 0 : i32
      %dma_start3A_159 = tpu.memref_slice %arg4[%add3A_155, %dma_start3A_158] : memref<1000000x128xf32, #tpu.memory_space<hbm>> -> memref<56x128xf32, #tpu.memory_space<hbm>>
      tpu.enqueue_dma source(%arg9 : memref<56x128xf32, #tpu.memory_space<vmem>>) target(%dma_start3A_159 : memref<56x128xf32, #tpu.memory_space<hbm>>) target_semaphore(%arg21 : memref<!tpu.dma_semaphore, #tpu.memory_space<semaphore_mem>>)
      %mul3A_160 = arith.constant 6 : i32
      %mul3A_161 = arith.muli %scan3A_45, %mul3A_160 : i32
      %add3A_162 = arith.constant 4 : i32
      %add3A_163 = arith.addi %mul3A_161, %add3A_162 : i32
      %ge3A_164 = arith.constant 2 : i32
      %ge3A_165 = arith.cmpi sge, %add3A_163, %ge3A_164 : i32
      %convert_element_type3A_166 = arith.extui %ge3A_165 : i1 to i32
      %cond3A_167 = arith.constant 0 : i32
      %cond3A_168 = arith.cmpi ne, %convert_element_type3A_166, %cond3A_167 : i32
      scf.if %cond3A_168 {
        %sub3A = arith.constant 2 : i32
        %sub3A_218 = arith.subi %add3A_163, %sub3A : i32
        %mul3A_219 = arith.constant 56 : i32
        %mul3A_220 = arith.muli %sub3A_218, %mul3A_219 : i32
        %add3A_221 = arith.addi %mul3A_2, %mul3A_220 : i32
        %dma_wait3A_222 = arith.constant 0 : i32
        %dma_wait3A_223 = tpu.memref_slice %arg4[%add3A_221, %dma_wait3A_222] : memref<1000000x128xf32, #tpu.memory_space<hbm>> -> memref<56x128xf32, #tpu.memory_space<hbm>>
        %dma_wait3A_224 = arith.constant 0 : i32
        %dma_wait3A_225 = tpu.memref_slice %arg4[%add3A_221, %dma_wait3A_224] : memref<1000000x128xf32, #tpu.memory_space<hbm>> -> memref<56x128xf32, #tpu.memory_space<hbm>>
        tpu.wait_dma2 semaphore(%arg20 : memref<!tpu.dma_semaphore, #tpu.memory_space<semaphore_mem>>) src(%arg8 : memref<56x128xf32, #tpu.memory_space<vmem>>) dst(%dma_wait3A_225 : memref<56x128xf32, #tpu.memory_space<hbm>>)
      } else {
      }
      %add3A_169 = arith.constant 4 : i32
      %add3A_170 = arith.addi %add3A_163, %add3A_169 : i32
      %lt3A_171 = arith.constant 558 : i32
      %lt3A_172 = arith.cmpi slt, %add3A_170, %lt3A_171 : i32
      %convert_element_type3A_173 = arith.extui %lt3A_172 : i1 to i32
      %cond3A_174 = arith.constant 0 : i32
      %cond3A_175 = arith.cmpi ne, %convert_element_type3A_173, %cond3A_174 : i32
      scf.if %cond3A_175 {
        %add3A_218 = arith.constant 4 : i32
        %add3A_219 = arith.addi %add3A_163, %add3A_218 : i32
        %mul3A_220 = arith.constant 56 : i32
        %mul3A_221 = arith.muli %add3A_219, %mul3A_220 : i32
        %dma_start3A_222 = tpu.memref_slice %arg5[%mul3A_221] : memref<31248xi32, #tpu.memory_space<vmem>> -> memref<56xi32, #tpu.memory_space<vmem>>
        %dma_start3A_223 = arith.constant 0 : i32
        %dma_start3A_224 = arith.constant 0 : i32
        %dma_start3A_225 = tpu.memref_slice %arg27[%dma_start3A_223, %dma_start3A_224] : memref<83x128xf32, #tpu.memory_space<vmem_shared>> -> memref<83x128xf32, #tpu.memory_space<vmem_shared>>
        tpu.enqueue_indirect_dma source(%dma_start3A_225 : memref<83x128xf32, #tpu.memory_space<vmem_shared>>) target(%arg8 : memref<56x128xf32, #tpu.memory_space<vmem>>) offsets(%dma_start3A_222 : memref<56xi32, #tpu.memory_space<vmem>>) semaphore(%arg14 : memref<!tpu.dma_semaphore, #tpu.memory_space<semaphore_mem>>)
      } else {
      }
      %mul3A_176 = arith.constant 56 : i32
      %mul3A_177 = arith.muli %add3A_163, %mul3A_176 : i32
      %dma_wait3A_178 = tpu.memref_slice %arg5[%mul3A_177] : memref<31248xi32, #tpu.memory_space<vmem>> -> memref<56xi32, #tpu.memory_space<vmem>>
      %dma_wait3A_179 = arith.constant 0 : i32
      %dma_wait3A_180 = arith.constant 0 : i32
      %dma_wait3A_181 = tpu.memref_slice %arg27[%dma_wait3A_179, %dma_wait3A_180] : memref<83x128xf32, #tpu.memory_space<vmem_shared>> -> memref<83x128xf32, #tpu.memory_space<vmem_shared>>
      tpu.wait_indirect_dma semaphore(%arg16 : memref<!tpu.dma_semaphore, #tpu.memory_space<semaphore_mem>>) src(%dma_wait3A_181 : memref<83x128xf32, #tpu.memory_space<vmem_shared>>) dst(%arg10 : memref<56x128xf32, #tpu.memory_space<vmem>>)
      %mul3A_182 = arith.constant 56 : i32
      %mul3A_183 = arith.muli %add3A_163, %mul3A_182 : i32
      %add3A_184 = arith.addi %mul3A_2, %mul3A_183 : i32
      %dma_start3A_185 = arith.constant 0 : i32
      %dma_start3A_186 = tpu.memref_slice %arg4[%add3A_184, %dma_start3A_185] : memref<1000000x128xf32, #tpu.memory_space<hbm>> -> memref<56x128xf32, #tpu.memory_space<hbm>>
      %dma_start3A_187 = arith.constant 0 : i32
      %dma_start3A_188 = tpu.memref_slice %arg4[%add3A_184, %dma_start3A_187] : memref<1000000x128xf32, #tpu.memory_space<hbm>> -> memref<56x128xf32, #tpu.memory_space<hbm>>
      tpu.enqueue_dma source(%arg10 : memref<56x128xf32, #tpu.memory_space<vmem>>) target(%dma_start3A_188 : memref<56x128xf32, #tpu.memory_space<hbm>>) target_semaphore(%arg22 : memref<!tpu.dma_semaphore, #tpu.memory_space<semaphore_mem>>)
      %mul3A_189 = arith.constant 6 : i32
      %mul3A_190 = arith.muli %scan3A_45, %mul3A_189 : i32
      %add3A_191 = arith.constant 5 : i32
      %add3A_192 = arith.addi %mul3A_190, %add3A_191 : i32
      %ge3A_193 = arith.constant 2 : i32
      %ge3A_194 = arith.cmpi sge, %add3A_192, %ge3A_193 : i32
      %convert_element_type3A_195 = arith.extui %ge3A_194 : i1 to i32
      %cond3A_196 = arith.constant 0 : i32
      %cond3A_197 = arith.cmpi ne, %convert_element_type3A_195, %cond3A_196 : i32
      scf.if %cond3A_197 {
        %sub3A = arith.constant 2 : i32
        %sub3A_218 = arith.subi %add3A_192, %sub3A : i32
        %mul3A_219 = arith.constant 56 : i32
        %mul3A_220 = arith.muli %sub3A_218, %mul3A_219 : i32
        %add3A_221 = arith.addi %mul3A_2, %mul3A_220 : i32
        %dma_wait3A_222 = arith.constant 0 : i32
        %dma_wait3A_223 = tpu.memref_slice %arg4[%add3A_221, %dma_wait3A_222] : memref<1000000x128xf32, #tpu.memory_space<hbm>> -> memref<56x128xf32, #tpu.memory_space<hbm>>
        %dma_wait3A_224 = arith.constant 0 : i32
        %dma_wait3A_225 = tpu.memref_slice %arg4[%add3A_221, %dma_wait3A_224] : memref<1000000x128xf32, #tpu.memory_space<hbm>> -> memref<56x128xf32, #tpu.memory_space<hbm>>
        tpu.wait_dma2 semaphore(%arg21 : memref<!tpu.dma_semaphore, #tpu.memory_space<semaphore_mem>>) src(%arg9 : memref<56x128xf32, #tpu.memory_space<vmem>>) dst(%dma_wait3A_225 : memref<56x128xf32, #tpu.memory_space<hbm>>)
      } else {
      }
      %add3A_198 = arith.constant 4 : i32
      %add3A_199 = arith.addi %add3A_192, %add3A_198 : i32
      %lt3A_200 = arith.constant 558 : i32
      %lt3A_201 = arith.cmpi slt, %add3A_199, %lt3A_200 : i32
      %convert_element_type3A_202 = arith.extui %lt3A_201 : i1 to i32
      %cond3A_203 = arith.constant 0 : i32
      %cond3A_204 = arith.cmpi ne, %convert_element_type3A_202, %cond3A_203 : i32
      scf.if %cond3A_204 {
        %add3A_218 = arith.constant 4 : i32
        %add3A_219 = arith.addi %add3A_192, %add3A_218 : i32
        %mul3A_220 = arith.constant 56 : i32
        %mul3A_221 = arith.muli %add3A_219, %mul3A_220 : i32
        %dma_start3A_222 = tpu.memref_slice %arg5[%mul3A_221] : memref<31248xi32, #tpu.memory_space<vmem>> -> memref<56xi32, #tpu.memory_space<vmem>>
        %dma_start3A_223 = arith.constant 0 : i32
        %dma_start3A_224 = arith.constant 0 : i32
        %dma_start3A_225 = tpu.memref_slice %arg27[%dma_start3A_223, %dma_start3A_224] : memref<83x128xf32, #tpu.memory_space<vmem_shared>> -> memref<83x128xf32, #tpu.memory_space<vmem_shared>>
        tpu.enqueue_indirect_dma source(%dma_start3A_225 : memref<83x128xf32, #tpu.memory_space<vmem_shared>>) target(%arg9 : memref<56x128xf32, #tpu.memory_space<vmem>>) offsets(%dma_start3A_222 : memref<56xi32, #tpu.memory_space<vmem>>) semaphore(%arg15 : memref<!tpu.dma_semaphore, #tpu.memory_space<semaphore_mem>>)
      } else {
      }
      %mul3A_205 = arith.constant 56 : i32
      %mul3A_206 = arith.muli %add3A_192, %mul3A_205 : i32
      %dma_wait3A_207 = tpu.memref_slice %arg5[%mul3A_206] : memref<31248xi32, #tpu.memory_space<vmem>> -> memref<56xi32, #tpu.memory_space<vmem>>
      %dma_wait3A_208 = arith.constant 0 : i32
      %dma_wait3A_209 = arith.constant 0 : i32
      %dma_wait3A_210 = tpu.memref_slice %arg27[%dma_wait3A_208, %dma_wait3A_209] : memref<83x128xf32, #tpu.memory_space<vmem_shared>> -> memref<83x128xf32, #tpu.memory_space<vmem_shared>>
      tpu.wait_indirect_dma semaphore(%arg17 : memref<!tpu.dma_semaphore, #tpu.memory_space<semaphore_mem>>) src(%dma_wait3A_210 : memref<83x128xf32, #tpu.memory_space<vmem_shared>>) dst(%arg11 : memref<56x128xf32, #tpu.memory_space<vmem>>)
      %mul3A_211 = arith.constant 56 : i32
      %mul3A_212 = arith.muli %add3A_192, %mul3A_211 : i32
      %add3A_213 = arith.addi %mul3A_2, %mul3A_212 : i32
      %dma_start3A_214 = arith.constant 0 : i32
      %dma_start3A_215 = tpu.memref_slice %arg4[%add3A_213, %dma_start3A_214] : memref<1000000x128xf32, #tpu.memory_space<hbm>> -> memref<56x128xf32, #tpu.memory_space<hbm>>
      %dma_start3A_216 = arith.constant 0 : i32
      %dma_start3A_217 = tpu.memref_slice %arg4[%add3A_213, %dma_start3A_216] : memref<1000000x128xf32, #tpu.memory_space<hbm>> -> memref<56x128xf32, #tpu.memory_space<hbm>>
      tpu.enqueue_dma source(%arg11 : memref<56x128xf32, #tpu.memory_space<vmem>>) target(%dma_start3A_217 : memref<56x128xf32, #tpu.memory_space<hbm>>) target_semaphore(%arg23 : memref<!tpu.dma_semaphore, #tpu.memory_space<semaphore_mem>>)
    }
    %scan3A_28 = arith.constant 93 : i32
    %add3A_29 = arith.constant 31136 : i32
    %add3A_30 = arith.addi %mul3A_2, %add3A_29 : i32
    %dma_wait3A = arith.constant 0 : i32
    %dma_wait3A_31 = tpu.memref_slice %arg4[%add3A_30, %dma_wait3A] : memref<1000000x128xf32, #tpu.memory_space<hbm>> -> memref<56x128xf32, #tpu.memory_space<hbm>>
    %dma_wait3A_32 = arith.constant 0 : i32
    %dma_wait3A_33 = tpu.memref_slice %arg4[%add3A_30, %dma_wait3A_32] : memref<1000000x128xf32, #tpu.memory_space<hbm>> -> memref<56x128xf32, #tpu.memory_space<hbm>>
    tpu.wait_dma2 semaphore(%arg22 : memref<!tpu.dma_semaphore, #tpu.memory_space<semaphore_mem>>) src(%arg10 : memref<56x128xf32, #tpu.memory_space<vmem>>) dst(%dma_wait3A_33 : memref<56x128xf32, #tpu.memory_space<hbm>>)
    %add3A_34 = arith.constant 31192 : i32
    %add3A_35 = arith.addi %mul3A_2, %add3A_34 : i32
    %dma_wait3A_36 = arith.constant 0 : i32
    %dma_wait3A_37 = tpu.memref_slice %arg4[%add3A_35, %dma_wait3A_36] : memref<1000000x128xf32, #tpu.memory_space<hbm>> -> memref<56x128xf32, #tpu.memory_space<hbm>>
    %dma_wait3A_38 = arith.constant 0 : i32
    %dma_wait3A_39 = tpu.memref_slice %arg4[%add3A_35, %dma_wait3A_38] : memref<1000000x128xf32, #tpu.memory_space<hbm>> -> memref<56x128xf32, #tpu.memory_space<hbm>>
    tpu.wait_dma2 semaphore(%arg23 : memref<!tpu.dma_semaphore, #tpu.memory_space<semaphore_mem>>) src(%arg11 : memref<56x128xf32, #tpu.memory_space<vmem>>) dst(%dma_wait3A_39 : memref<56x128xf32, #tpu.memory_space<hbm>>)
    %eq3A_40 = arith.constant 0 : i32
    %eq3A_41 = arith.cmpi eq, %add3A, %eq3A_40 : i32
    %convert_element_type3A_42 = arith.extui %eq3A_41 : i1 to i32
    %cond3A_43 = arith.constant 0 : i32
    %cond3A_44 = arith.cmpi ne, %convert_element_type3A_42, %cond3A_43 : i32
    scf.if %cond3A_44 {
      "tpu.region"() ({
        %run_scoped3A = tpu.sem_alloc : memref<!tpu.dma_semaphore, #tpu.memory_space<semaphore_mem>>
        %dma_start3A_51 = arith.constant 999936 : i32
        %dma_start3A_52 = tpu.memref_slice %arg2[%dma_start3A_51] : memref<1000000xi32, #tpu.memory_space<hbm>> -> memref<64xi32, #tpu.memory_space<hbm>>
        %dma_start3A_53 = arith.constant 999936 : i32
        %dma_start3A_54 = tpu.memref_slice %arg2[%dma_start3A_53] : memref<1000000xi32, #tpu.memory_space<hbm>> -> memref<64xi32, #tpu.memory_space<hbm>>
        tpu.enqueue_dma source(%dma_start3A_54 : memref<64xi32, #tpu.memory_space<hbm>>) target(%arg24 : memref<64xi32, #tpu.memory_space<vmem>>) target_semaphore(%run_scoped3A : memref<!tpu.dma_semaphore, #tpu.memory_space<semaphore_mem>>)
        %dma_wait3A_55 = arith.constant 999936 : i32
        %dma_wait3A_56 = tpu.memref_slice %arg2[%dma_wait3A_55] : memref<1000000xi32, #tpu.memory_space<hbm>> -> memref<64xi32, #tpu.memory_space<hbm>>
        %dma_wait3A_57 = arith.constant 999936 : i32
        %dma_wait3A_58 = tpu.memref_slice %arg2[%dma_wait3A_57] : memref<1000000xi32, #tpu.memory_space<hbm>> -> memref<64xi32, #tpu.memory_space<hbm>>
        tpu.wait_dma2 semaphore(%run_scoped3A : memref<!tpu.dma_semaphore, #tpu.memory_space<semaphore_mem>>) src(%dma_wait3A_58 : memref<64xi32, #tpu.memory_space<hbm>>) dst(%arg24 : memref<64xi32, #tpu.memory_space<vmem>>)
        tpu.yield
      }) : () -> ()
      %dma_start3A_45 = arith.constant 0 : i32
      %dma_start3A_46 = arith.constant 0 : i32
      %dma_start3A_47 = tpu.memref_slice %arg27[%dma_start3A_45, %dma_start3A_46] : memref<83x128xf32, #tpu.memory_space<vmem_shared>> -> memref<83x128xf32, #tpu.memory_space<vmem_shared>>
      tpu.enqueue_indirect_dma source(%dma_start3A_47 : memref<83x128xf32, #tpu.memory_space<vmem_shared>>) target(%arg25 : memref<64x128xf32, #tpu.memory_space<vmem>>) offsets(%arg24 : memref<64xi32, #tpu.memory_space<vmem>>) semaphore(%arg26 : memref<!tpu.dma_semaphore, #tpu.memory_space<semaphore_mem>>)
      %dma_wait3A_48 = arith.constant 0 : i32
      %dma_wait3A_49 = arith.constant 0 : i32
      %dma_wait3A_50 = tpu.memref_slice %arg27[%dma_wait3A_48, %dma_wait3A_49] : memref<83x128xf32, #tpu.memory_space<vmem_shared>> -> memref<83x128xf32, #tpu.memory_space<vmem_shared>>
      tpu.wait_indirect_dma semaphore(%arg26 : memref<!tpu.dma_semaphore, #tpu.memory_space<semaphore_mem>>) src(%dma_wait3A_50 : memref<83x128xf32, #tpu.memory_space<vmem_shared>>) dst(%arg25 : memref<64x128xf32, #tpu.memory_space<vmem>>)
      "tpu.region"() ({
        %run_scoped3A = tpu.sem_alloc : memref<!tpu.dma_semaphore, #tpu.memory_space<semaphore_mem>>
        %dma_start3A_51 = arith.constant 999936 : i32
        %dma_start3A_52 = arith.constant 0 : i32
        %dma_start3A_53 = tpu.memref_slice %arg4[%dma_start3A_51, %dma_start3A_52] : memref<1000000x128xf32, #tpu.memory_space<hbm>> -> memref<64x128xf32, #tpu.memory_space<hbm>>
        %dma_start3A_54 = arith.constant 999936 : i32
        %dma_start3A_55 = arith.constant 0 : i32
        %dma_start3A_56 = tpu.memref_slice %arg4[%dma_start3A_54, %dma_start3A_55] : memref<1000000x128xf32, #tpu.memory_space<hbm>> -> memref<64x128xf32, #tpu.memory_space<hbm>>
        tpu.enqueue_dma source(%arg25 : memref<64x128xf32, #tpu.memory_space<vmem>>) target(%dma_start3A_56 : memref<64x128xf32, #tpu.memory_space<hbm>>) target_semaphore(%run_scoped3A : memref<!tpu.dma_semaphore, #tpu.memory_space<semaphore_mem>>)
        %dma_wait3A_57 = arith.constant 999936 : i32
        %dma_wait3A_58 = arith.constant 0 : i32
        %dma_wait3A_59 = tpu.memref_slice %arg4[%dma_wait3A_57, %dma_wait3A_58] : memref<1000000x128xf32, #tpu.memory_space<hbm>> -> memref<64x128xf32, #tpu.memory_space<hbm>>
        %dma_wait3A_60 = arith.constant 999936 : i32
        %dma_wait3A_61 = arith.constant 0 : i32
        %dma_wait3A_62 = tpu.memref_slice %arg4[%dma_wait3A_60, %dma_wait3A_61] : memref<1000000x128xf32, #tpu.memory_space<hbm>> -> memref<64x128xf32, #tpu.memory_space<hbm>>
        tpu.wait_dma2 semaphore(%run_scoped3A : memref<!tpu.dma_semaphore, #tpu.memory_space<semaphore_mem>>) src(%arg25 : memref<64x128xf32, #tpu.memory_space<vmem>>) dst(%dma_wait3A_62 : memref<64x128xf32, #tpu.memory_space<hbm>>)
        tpu.yield
      }) : () -> ()
    } else {
    }
    return
  }
}

</mosaic_0001>

<sc_bundles>
// kernel: kernel.3.cloned.1.call-start
scs
__scs_entry_jumppad:
0x0: {  	(pc) =	sbr.rel $0x88, $3  }
0x1: {  	(tag) =	ssettag $0x0;
	lr =	simm.s32 $0x1  }
0x2: {  	[smem:$0x3F9F] =	sst lr;
	_ =	strace $0xD0000000  }
0x3: {  	_ = 	snop  }
0x4: {  	_ = 	snop  }
0x5: {  	_ = 	snop  }
0x6: {  	_ = 	snop  }
0x7: {  	_ = 	snop  }
__scs_overlays_trampoline_lowered:
0x8: {  	[smem:$0x3FAE] =	sst s0  }
0x9: {  	[smem:$0x3FAF] =	sst s1  }
0xa: {  	[smem:$0x3FB0] =	sst s2  }
0xb: {  	[smem:$0x3FB1] =	sst s3  }
0xc: {  	[smem:$0x3FB2] =	sst s4  }
0xd: {  	[smem:$0x3FB3] =	sst s5  }
0xe: {  	[smem:$0x3FB4] =	sst s6  }
0xf: {  	[smem:$0x3FB5] =	sst s7  }
0x10: {  	[smem:$0x3FB6] =	sst s8  }
0x11: {  	[smem:$0x3FB7] =	sst s9;
	s0 =	simm.s32 @!p0 $0x0  }
0x12: {  	s1 =	sld [smem:$0x3F9D];
	s0 =	simm.s32 @p0 $0x1  }
0x13: {  	[smem:$0x3FB8] =	sst s0;
	s0 =	simm.s32 @!p1 $0x0  }
0x14: {  	s2 =	sld [smem:$0x3F9C];
	s0 =	simm.s32 @p1 $0x1  }
0x15: {  	[smem:$0x3FB9] =	sst s0;
	s0 =	simm.s32 @!p2 $0x0  }
0x16: {  	s3 =	sld [smem:$0x3FDB];
	s0 =	simm.s32 @p2 $0x1  }
0x17: {  	s4 =	simm.s32 $0x1BF5;
	[smem:$0x3FBB] =	sst s0  }
0x18: {  	s0 =	sld [smem:$0x3F9E];
	_ =	swait.ge [sflag:s4], $0x0  }
0x19: {  	s7 =	sld [smem:$0x3F9F]  }
0x1a: {  	s8 =	sadd.s32 $0xFFFFE003, lr  }
0x1b: {  	s9 =	sadd.s32 $0xFFFFFEF7, lr;
	s5 =	simm.s32 $0xFFFFFFFF;
	p2 =	slt.u32 s8, $0xFFFFF086  }
0x1c: {  	p1 =	slt.u32 s9, $0xF7A;
	s5 =	simm.s32 @!p2 $0x0  }
0x1d: {  	s5 =	simm.s32 @p1 $0x1;
	p0 =	seq.s32 s7, s2  }
0x1e: {  	s7 =	smul.u32 @!p0 $0xF7A, s2;
	p2 =	seq.s32 @!p0 s5, $0x0  }
0x1f: {  	s9 =	smul.u32 $0xF7A, s1;
	s8 =	simm.s32 @!p0 $0x1BF5;
	p2 =	por !p2, p0  }
0x20: {  	[sflag:s8] =	ssyncset.s32 @!p0 $0xFFFFF086;
	s6 =	sadd.s32 @!p0 s3, s7;
	s7 =	simm.s32 @!p0 $0x108  }
0x21: {  	s3 =	sadd.s32 s3, s9;
	s6 =	sadd.s32 @!p0 $0x88, s6;
	s7 =	simm.s32 @p2 $0x1082  }
0x22: {  	[simem:s7], [sflag:s8] =	dma.local @!p0 [hbm:s6], $0xF7A  }
0x23: {  	s9 =	sor.u32 $0xD0000000, s2;
	s6 =	simm.s32 $0x108;
	_ =	swait.ge @!p0 [sflag:s8], $0x0  }
0x24: {  	s3 =	sadd.s32 $0x88, s3;
	s6 =	simm.s32 @!p1 $0x1082;
	[sflag:s4] =	ssyncset.s32 $0xFFFFF086  }
0x25: {  	[simem:s6], [sflag:s4] =	dma.local [hbm:s3], $0xF7A  }
0x26: {  	[smem:$0x3F9F] =	sst s1;
	(tag) =	ssettag s2;
	_ =	strace s9  }
0x27: {  	s1 =	sld [smem:$0x3FAF]  }
0x28: {  	s2 =	sld [smem:$0x3FB0]  }
0x29: {  	s4 =	sld [smem:$0x3FB2]  }
0x2a: {  	p0 =	seq.s32 s5, $0x0;
	s5 =	sld [smem:$0x3FB3]  }
0x2b: {  	s6 =	sld [smem:$0x3FB4]  }
0x2c: {  	s7 =	sld [smem:$0x3FB5]  }
0x2d: {  	s3 =	simm.s32 $0x108;
	s8 =	sld [smem:$0x3FB6]  }
0x2e: {  	s3 =	simm.s32 @!p0 $0x1082;
	s9 =	sld [smem:$0x3FB7]  }
0x2f: {  	lr =	sadd.s32 s0, s3;
	s0 =	sld [smem:$0x3FAE]  }
0x30: {  	s3 =	sld [smem:$0x3FB1]  }
0x31: {  	[smem:$0x3FBA] =	sst s10  }
0x32: {  	s10 =	sld [smem:$0x3FB8];
	_ =	sdelay $0x3  }
0x33: {  	p0 =	seq.s32 s10, $0x1;
	s10 =	sld [smem:$0x3FBA];
	_ =	sdelay $0x3  }
0x34: {  	[smem:$0x3FBA] =	sst s10  }
0x35: {  	s10 =	sld [smem:$0x3FB9];
	_ =	sdelay $0x3  }
0x36: {  	p1 =	seq.s32 s10, $0x1;
	s10 =	sld [smem:$0x3FBA];
	_ =	sdelay $0x3  }
0x37: {  	[smem:$0x3FBA] =	sst s10  }
0x38: {  	s10 =	sld [smem:$0x3FBB]  }
0x39: {  	_ = 	snop;
	(pc) =	sbr.ind lr, $3  }
0x3a: {  	_ = 	snop  }
0x3b: {  	_ = 	snop  }
0x3c: {  	p2 =	seq.s32 s10, $0x1;
	s10 =	sld [smem:$0x3FBA]  }
0x3d: {  	_ =	shalt  }
0x3e: {  	_ =	shalt  }
0x3f: {  	_ =	shalt  }
0x40: {  	_ =	shalt  }
0x41: {  	_ =	shalt  }
0x42: {  	_ =	shalt  }
0x43: {  	_ =	shalt  }
0x44: {  	_ =	shalt  }
0x45: {  	_ =	shalt  }
0x46: {  	_ =	shalt  }
0x47: {  	_ =	shalt  }
0x48: {  	_ =	shalt  }
0x49: {  	_ =	shalt  }
0x4a: {  	_ =	shalt  }
0x4b: {  	_ =	shalt  }
0x4c: {  	_ =	shalt  }
0x4d: {  	_ =	shalt  }
0x4e: {  	_ =	shalt  }
0x4f: {  	_ =	shalt  }
0x50: {  	_ =	shalt  }
0x51: {  	_ =	shalt  }
0x52: {  	_ =	shalt  }
0x53: {  	_ =	shalt  }
0x54: {  	_ =	shalt  }
0x55: {  	_ =	shalt  }
0x56: {  	_ =	shalt  }
0x57: {  	_ =	shalt  }
0x58: {  	_ =	shalt  }
0x59: {  	_ =	shalt  }
0x5a: {  	_ =	shalt  }
0x5b: {  	_ =	shalt  }
0x5c: {  	_ =	shalt  }
0x5d: {  	_ =	shalt  }
0x5e: {  	_ =	shalt  }
0x5f: {  	_ =	shalt  }
0x60: {  	_ =	shalt  }
0x61: {  	_ =	shalt  }
0x62: {  	_ =	shalt  }
0x63: {  	_ =	shalt  }
0x64: {  	_ =	shalt  }
0x65: {  	_ =	shalt  }
0x66: {  	_ =	shalt  }
0x67: {  	_ =	shalt  }
0x68: {  	_ =	shalt  }
0x69: {  	_ =	shalt  }
0x6a: {  	_ =	shalt  }
0x6b: {  	_ =	shalt  }
0x6c: {  	_ =	shalt  }
0x6d: {  	_ =	shalt  }
0x6e: {  	_ =	shalt  }
0x6f: {  	_ =	shalt  }
0x70: {  	_ =	shalt  }
0x71: {  	_ =	shalt  }
0x72: {  	_ =	shalt  }
0x73: {  	_ =	shalt  }
0x74: {  	_ =	shalt  }
0x75: {  	_ =	shalt  }
0x76: {  	_ =	shalt  }
0x77: {  	_ =	shalt  }
0x78: {  	_ =	shalt  }
0x79: {  	_ =	shalt  }
0x7a: {  	_ =	shalt  }
0x7b: {  	_ =	shalt  }
0x7c: {  	_ =	shalt  }
0x7d: {  	_ =	shalt  }
0x7e: {  	_ =	shalt  }
0x7f: {  	_ =	shalt  }
0x80: {  	_ =	shalt  }
0x81: {  	_ =	shalt  }
0x82: {  	_ =	shalt  }
0x83: {  	_ =	shalt  }
0x84: {  	_ =	shalt  }
0x85: {  	_ =	shalt  }
0x86: {  	_ =	shalt  }
0x87: {  	_ =	shalt  }
.Lfunc_end0:
.L_simem_size_0:
called_computation_lowered:
.L_overlay_start_0:
0x88: {  	s2 =	sld [smem:$0x3FD9]  }
0x89: {  	s3 =	sld [smem:$0x3FFE];
	_ =	sdelay $0x1  }
0x8a: {  	s1 =	srdreg.scid  }
0x8b: {  	s0 =	sand.u32 $0x1, s1  }
0x8c: {  	s18 =	sshll.u32 s0, $0xA;
	s2 =	sadd.s32 s3, s2  }
0x8d: {  	s2 =	sadd.s32 s2, s18  }
0x8e: {  	[smem:$0x3FC6] =	sst s2  }
0x8f: {  	_ = 	snop  }
0x90: {  	s2 =	sld [smem:$0x3FC9]  }
0x91: {  	s19 =	sld [smem:$0x3FC8]  }
0x92: {  	s4 =	sld [smem:$0x3FD0];
	(tm) =	ssettm $0x1  }
0x93: {  	s5 =	sld [smem:$0x3FFB];
	_ =	sdelay $0x3  }
0x94: {  	_ =	strace s5  }
0x95: {  	s5 =	sld [smem:$0x3FFC];
	_ =	sdelay $0x3  }
0x96: {  	_ =	strace s5  }
0x97: {  	s5 =	sld [smem:$0x3FFD];
	_ =	sdelay $0x3  }
0x98: {  	_ =	strace s5  }
0x99: {  	_ =	strace $0x8FFFFFFF  }
0x9a: {  	s20 =	sld [smem:$0x3FDB];
	_ =	sdelay $0x1  }
0x9b: {  	s6 =	simm.s32 $_scs_section_size  }
0x9c: {  	s7 =	simm.s32 $_size__tile_overlayer_lowered;
	s8 =	simm.s32 $_tile_overlayer_lowered  }
0x9d: {  	s23 =	simm.s32 $0x1BFF;
	s22 =	sshll.u32 s8, $0x1;
	s5 =	sadd.s32 s6, s20  }
0x9e: {  	s9 =	simm.s32 $0x0;
	s21 =	sshll.u32 s7, $0x1;
	s7 =	sadd.s32 s22, s5  }
0x9f: {  	[timem:s9], [sflag:s23] =	dma.local [hbm:s7], s21  }
0xa0: {  	_ =	swait.ge [sflag:s23], s21  }
0xa1: {  	s6 =	ssub.s32 $0x0, s21;
	[sflag:s23] =	ssyncset.done $0x0  }
0xa2: {  	[sflag:s23] =	ssyncadd.s32 s6;
	_ =	sdelay $0x1  }
0xa3: {  	s24 =	simm.s32 $0x1B8B  }
0xa4: {  	_ =	swait.ge [sflag:s24], $0x1  }
0xa5: {  	[sflag:s24] =	ssyncset.done $0x0  }
0xa6: {  	s25 =	simm.s32 $0x1B8E;
	[sflag:s24] =	ssyncadd.s32 $0xFFFFFFFF  }
0xa7: {  	s26 =	simm.s32 $execute0_lowered;
	[smem:$0x3FD2] =	sst s25  }
0xa8: {  	s6 =	sshll.u32 s26, $0x1;
	_ =	strace $0x80000046;
	[dreg:$0x1] =	wrdreg $0xFFFFFFFF  }
0xa9: {  	s28 =	simm.s32 $_size_execute0_lowered;
	s5 =	sadd.s32 s5, s6;
	[dreg:$0x0] =	wrdreg $0x0  }
0xaa: {  	s6 =	sshll.u32 s28, $0x1;
	[dreg:$0x2] =	wrdreg s5  }
0xab: {  	[dreg:$0x3] =	wrdreg s6  }
0xac: {  	[dreg:$0x4] =	wrdreg $0xC0  }
0xad: {  	_ =	task [dreg:s9], $0x5FFFF  }
0xae: {  	[dreg:$0x1] =	wrdreg $0xFFFFFFFF  }
0xaf: {  	[dreg:$0x0] =	wrdreg $0x60  }
0xb0: {  	[dreg:$0x2] =	wrdreg s2  }
0xb1: {  	[dreg:$0x3] =	wrdreg s19  }
0xb2: {  	[dreg:$0x4] =	wrdreg s4  }
0xb3: {  	[dreg:$0x5] =	wrdreg $0x143000  }
0xb4: {  	[dreg:$0x6] =	wrdreg $0x9  }
0xb5: {  	_ =	task.clear_ibuf [dreg:s9], $0x7FFFF;
	_ =	strace $0x90000046  }
0xb6: {  	s29 =	simm.s32 $0x9;
	_ =	strace $0x80000048  }
0xb7: {  	_ =	swait.ge [sflag:s29], $0x1  }
0xb8: {  	[sflag:s29] =	ssyncadd.s32 $0xFFFFFFFF  }
0xb9: {  	_ =	strace $0x90000048  }
0xba: {  	_ =	sfence  }
0xbb: {  	s30 =	sld [smem:$0x0];
	_ =	sdelay $0x2  }
0xbc: {  	s31 =	sshll.u32 s1, $0xD;
	s1 =	sshrl.u32 s1, $0x2  }
0xbd: {  	s3 =	sand.u32 $0x4000, s31;
	s1 =	sadd.s32 s1, s30  }
0xbe: {  	s0 =	sor.u32 s3, s0;
	s1 =	sshll.u32 s1, $0x11  }
0xbf: {  	s0 =	sor.u32 s1, s0  }
0xc0: {  	s0 =	sadd.s32 $0x8F2B, s0  }
0xc1: {  	[sflag:s0] =	ssyncadd.remote.s32 $0x1  }
0xc2: {  	_ =	sfence.sel $0xFFFF  }
0xc3: {  	[dreg:$0x0] =	wrdreg $0xFFFFFFFF;
	(pc) =	sbr.abs _section_cstart, $3  }
0xc4: {  	[dreg:$0x1] =	wrdreg $0xFFFFFFFF  }
0xc5: {  	_ =	task.clear_ibuf [dreg:s9], $0x2FFFF;
	_ =	strace $0x9FFFFFFF  }
0xc6: {  	(tm) =	ssettm $0x7FFFFFFF  }
0xc7: {  	_ =	shalt  }
tec
execute0_lowered:
.L_overlay_start_1:
0x0: {  	(tag) =	ssettag $0x1  }
0x1: {  	s0 =	rddreg [dreg:$0x0]  }
0x2: {  	s1 =	rddreg [dreg:$0x2]  }
0x3: {  	s3 =	srdreg.scid;
	s4 =	stileid.u32  }
0x4: {  	s2 =	rddreg [dreg:$0x3];
	s11 =	simm.s32 $0x38;
	s12 =	simm.s32 $0x7A80  }
0x5: {  	s13 =	simm.s32 $0x9680;
	s15 =	simm.s32 $0xB280;
	s17 =	simm.s32 $0xCE80  }
0x6: {  	s18 =	simm.s32 $0xEA80;
	s19 =	simm.s32 $0x1;
	s20 =	simm.s32 $0x10680  }
0x7: {  	s21 =	simm.s32 $0x2;
	s22 =	simm.s32 $0x7;
	s23 =	simm.s32 $0x3  }
0x8: {  	s24 =	simm.s32 $0x8;
	s25 =	simm.s32 $0x4;
	s28 =	simm.s32 $0x5  }
0x9: {  	s29 =	simm.s32 $0xA;
	s30 =	simm.s32 $0x6;
	s5 =	sand.u32 $0x1, s3  }
0xa: {  	s6 =	sshll.u32 s4, $0x1;
	s3 =	simm.s32 $0x0;
	s10 =	smul.u32 $0xF4200, s4  }
0xb: {  	s6 =	sor.u32 s5, s6;
	s7 =	ssub.s32 $0x2, s5;
	s5 =	smul.u32 $0x7A100, s5  }
0xc: {  	p0 =	sne.s32 s4, $0x0;
	[smem:$0x7FF] =	sst s3;
	s8 =	smul.u32 $0x7A10, s6  }
0xd: {  	_ =	strace $0x80000047;
	s9 =	sshrl.u32 s7, $0x1;
	s26 =	sadd.s32 s10, s1  }
0xe: {  	s1 =	sadd.s32 $0xF42000, s1;
	p1 =	sne.s32 s6, $0x0;
	s7 =	ssub.s32 s7, s9  }
0xf: {  	[dreg:$0x7] =	wrdreg s1;
	s8 =	sshrl.u32 s8, $0x3;
	s31 =	smax.u32 s7, $0x1  }
0x10: {  	s8 =	sadd.s32 s0, s8;
	s0 =	sadd.s32 $0x1E840, s0;
	[dreg:$0x8] =	wrdreg s31  }
0x11: {  	s1 =	simm.s32 $0xC;
	[dreg:$0x6] =	wrdreg s0;
	s0 =	sadd.s32 s5, s26  }
0x12: {  	[dreg:$0x5] =	wrdreg s8;
	s8 =	sadd.s32 $0xA80, s0;
	s0 =	sshrl.u32 @!p0 s2, $0x3  }
0x13: {  	s26 =	simm.s32 $0x9;
	[dreg:$0x9] =	wrdreg s0;
	s0 =	simm.s32 $0x0  }
.LBB2_1:
0x14: {  	s5 =	rddreg [dreg:$0x1]  }
0x15: {  	s4 =	simm.s32 @!p0 $0x1C0E;
	s6 =	rddreg [dreg:$0x9]  }
0x16: {  	[spmem:s6], [sflag:s4] =	dma.local @!p0 [hbm:s5], $0x530  }
0x17: {  	s4 =	simm.s32 @!p0 $0xE  }
0x18: {  	_ =	swait.ge @!p0 [sflag:s4], $0x530  }
0x19: {  	[sflag:s4] =	ssyncset.done @!p0 $0x0  }
0x1a: {  	[sflag:s4] =	ssyncadd.s32 @!p0 $0xFFFFFAD0  }
0x1b: {  	[bflag:$0x0] =	sbarrier.arrive $0xFFFF  }
0x1c: {  	s31 =	simm.s32 $0xE;
	s16 =	rddreg [dreg:$0x5]  }
0x1d: {  	[tilespmem:s3], [sflag:$0xE] =	stream.linear.gather [hbm4b:s16+s3], $0x7A10, $0x38;
	[tilespmem:$0x14598] =	vst v63  }
0x1e: {  	_ =	swait.ge [sflag:s31], $0x7A10  }
0x1f: {  	[sflag:s31] =	ssyncset.done $0x0  }
0x20: {  	[sflag:s31] =	ssyncadd.s32 $0xFFFF85F0  }
0x21: {  	[tilespmem:s12], [sflag:$0x1] =	stream.indirect.gather [spmem:s2], $0x80, s3, s11, $0xb8;
	[tilespmem:$0x14598] =	vst v63  }
0x22: {  	_ = 	snop  }
0x23: {  	[tilespmem:s13], [sflag:$0x2] =	stream.indirect.gather [spmem:s2], $0x80, s11, s11, $0xb8;
	[tilespmem:$0x14598] =	vst v63  }
0x24: {  	p2 =	por $0x1, $0x1;
	s5 =	simm.s32 $0x70  }
0x25: {  	[tilespmem:s15], [sflag:$0x3] =	stream.indirect.gather [spmem:s2], $0x80, s5, s11, $0xb8;
	[tilespmem:$0x14598] =	vst v63  }
0x26: {  	s6 =	simm.s32 $0xA8;
	s4 =	simm.s32 @!p2 $0xB  }
0x27: {  	[tilespmem:s17], [sflag:$0x4] =	stream.indirect.gather [spmem:s2], $0x80, s6, s11, $0xb8;
	[tilespmem:$0x14598] =	vst v63  }
0x28: {  	_ =	swait.ge @!p2 [sflag:s4], $0x1C00  }
0x29: {  	[sflag:s4] =	ssyncset.done @!p2 $0x0  }
0x2a: {  	s7 =	simm.s32 $0xE0;
	[sflag:s4] =	ssyncadd.s32 @!p2 $0xFFFFE400  }
0x2b: {  	[tilespmem:s18], [sflag:$0x5] =	stream.indirect.gather [spmem:s2], $0x80, s7, s11, $0xb8;
	[tilespmem:$0x14598] =	vst v63  }
0x2c: {  	_ =	swait.ge [sflag:s19], $0x1C00  }
0x2d: {  	[sflag:s19] =	ssyncset.done $0x0  }
0x2e: {  	s9 =	sadd.s32 $0xFFFFF580, s8;
	s5 =	simm.s32 @!p2 $0xC;
	[sflag:s19] =	ssyncadd.s32 $0xFFFFE400  }
0x2f: {  	[hbm4b:s9+s3] =	stream.linear.scatter [tilespmem:s12], [sflag:$0x7], $0x1C00, $0x38;
	[tilespmem:$0x14598] =	vst v63  }
0x30: {  	_ =	swait.ge @!p2 [sflag:s5], $0x1C00  }
0x31: {  	[sflag:s5] =	ssyncset.done @!p2 $0x0  }
0x32: {  	s10 =	simm.s32 $0x118;
	[sflag:s5] =	ssyncadd.s32 @!p2 $0xFFFFE400  }
0x33: {  	[tilespmem:s20], [sflag:$0x6] =	stream.indirect.gather [spmem:s2], $0x80, s10, s11, $0xb8;
	[tilespmem:$0x14598] =	vst v63  }
0x34: {  	_ =	swait.ge [sflag:s21], $0x1C00  }
0x35: {  	[sflag:s21] =	ssyncset.done $0x0  }
0x36: {  	s14 =	sadd.s32 $0xFFFFF900, s8;
	[sflag:s21] =	ssyncadd.s32 $0xFFFFE400  }
0x37: {  	[hbm4b:s14+s3] =	stream.linear.scatter [tilespmem:s13], [sflag:$0x8], $0x1C00, $0x38;
	[tilespmem:$0x14598] =	vst v63  }
0x38: {  	p2 =	por $0x0, $0x0;
	_ =	swait.ge [sflag:s22], $0x1C00  }
0x39: {  	s4 =	simm.s32 @!p2 $0x7A80;
	[sflag:s22] =	ssyncset.done $0x0  }
0x3a: {  	s5 =	simm.s32 @!p2 $0x150;
	s6 =	simm.s32 @!p2 $0x38;
	[sflag:s22] =	ssyncadd.s32 $0xFFFFE400  }
0x3b: {  	[tilespmem:s4], [sflag:$0x1] =	stream.indirect.gather @!p2 [spmem:s2], $0x80, s5, s6, $0xb8;
	[tilespmem:$0x14598] =	vst v63  }
0x3c: {  	_ =	swait.ge [sflag:s23], $0x1C00  }
0x3d: {  	[sflag:s23] =	ssyncset.done $0x0  }
0x3e: {  	s16 =	sadd.s32 $0xFFFFFC80, s8;
	[sflag:s23] =	ssyncadd.s32 $0xFFFFE400  }
0x3f: {  	[hbm4b:s16+s3] =	stream.linear.scatter [tilespmem:s15], [sflag:$0x9], $0x1C00, $0x38;
	[tilespmem:$0x14598] =	vst v63  }
0x40: {  	_ =	swait.ge [sflag:s24], $0x1C00  }
0x41: {  	[sflag:s24] =	ssyncset.done $0x0  }
0x42: {  	s4 =	simm.s32 @!p2 $0x188;
	s5 =	simm.s32 @!p2 $0x9680;
	[sflag:s24] =	ssyncadd.s32 $0xFFFFE400  }
0x43: {  	[tilespmem:s5], [sflag:$0x2] =	stream.indirect.gather @!p2 [spmem:s2], $0x80, s4, s6, $0xb8;
	[tilespmem:$0x14598] =	vst v63  }
0x44: {  	_ =	swait.ge [sflag:s25], $0x1C00  }
0x45: {  	[sflag:s25] =	ssyncset.done $0x0  }
0x46: {  	[sflag:s25] =	ssyncadd.s32 $0xFFFFE400  }
0x47: {  	[hbm4b:s8+s3] =	stream.linear.scatter [tilespmem:s17], [sflag:$0xA], $0x1C00, $0x38;
	[tilespmem:$0x14598] =	vst v63  }
0x48: {  	_ =	swait.ge [sflag:s26], $0x1C00  }
0x49: {  	[sflag:s26] =	ssyncset.done $0x0  }
0x4a: {  	s4 =	simm.s32 @!p2 $0x1C0;
	s5 =	simm.s32 @!p2 $0xB280;
	[sflag:s26] =	ssyncadd.s32 $0xFFFFE400  }
0x4b: {  	[tilespmem:s5], [sflag:$0x3] =	stream.indirect.gather @!p2 [spmem:s2], $0x80, s4, s6, $0xb8;
	[tilespmem:$0x14598] =	vst v63  }
0x4c: {  	_ =	swait.ge [sflag:s28], $0x1C00  }
0x4d: {  	[sflag:s28] =	ssyncset.done $0x0  }
0x4e: {  	s31 =	sadd.s32 $0x380, s8;
	[sflag:s28] =	ssyncadd.s32 $0xFFFFE400  }
0x4f: {  	[hbm4b:s31+s3] =	stream.linear.scatter [tilespmem:s18], [sflag:$0xB], $0x1C00, $0x38;
	[tilespmem:$0x14598] =	vst v63  }
0x50: {  	_ =	swait.ge [sflag:s29], $0x1C00  }
0x51: {  	p3 =	por $0x0, $0x0;
	[sflag:s29] =	ssyncset.done $0x0  }
0x52: {  	s4 =	simm.s32 @!p2 $0x1F8;
	s5 =	simm.s32 @!p2 $0xCE80;
	[sflag:s29] =	ssyncadd.s32 $0xFFFFE400  }
0x53: {  	[tilespmem:s5], [sflag:$0x4] =	stream.indirect.gather @!p2 [spmem:s2], $0x80, s4, s6, $0xb8;
	[tilespmem:$0x14598] =	vst v63  }
0x54: {  	s7 =	sadd.s32 $0x700, s8;
	s14 =	sadd.s32 $0x1500, s8;
	_ =	swait.ge [sflag:s30], $0x1C00  }
0x55: {  	s16 =	simm.s32 $0x540;
	s4 =	simm.s32 $0xA80;
	[sflag:s30] =	ssyncset.done $0x0  }
.LBB2_2:
0x56: {  	s9 =	simm.s32 @!p3 $0xB;
	[sflag:s30] =	ssyncadd.s32 $0xFFFFE400  }
0x57: {  	s6 =	smov.u32 s4;
	s4 =	sadd.s32 $0x540, s4;
	s5 =	smov.u32 s14  }
0x58: {  	[hbm4b:s7+s3] =	stream.linear.scatter [tilespmem:s20], [sflag:$0xC], $0x1C00, $0x38;
	[tilespmem:$0x14598] =	vst v63  }
0x59: {  	p2 =	sne.s32 s4, $0x1E840;
	_ =	swait.ge @!p3 [sflag:s9], $0x1C00  }
0x5a: {  	s7 =	sshra.s32 s16, $0x2;
	[sflag:s9] =	ssyncset.done @!p3 $0x0  }
0x5b: {  	[sflag:s9] =	ssyncadd.s32 @!p3 $0xFFFFE400;
	s9 =	sadd.s32 $0xE0, s7  }
0x5c: {  	[tilespmem:s18], [sflag:$0x5] =	stream.indirect.gather [spmem:s2], $0x80, s9, s11, $0xb8;
	[tilespmem:$0x14598] =	vst v63  }
0x5d: {  	_ =	swait.ge [sflag:s19], $0x1C00  }
0x5e: {  	[sflag:s19] =	ssyncset.done $0x0  }
0x5f: {  	s10 =	simm.s32 @!p3 $0xC;
	s9 =	sadd.s32 $0xFFFFF580, s14;
	[sflag:s19] =	ssyncadd.s32 $0xFFFFE400  }
0x60: {  	[hbm4b:s9+s3] =	stream.linear.scatter [tilespmem:s12], [sflag:$0x7], $0x1C00, $0x38;
	[tilespmem:$0x14598] =	vst v63  }
0x61: {  	_ =	swait.ge @!p3 [sflag:s10], $0x1C00  }
0x62: {  	[sflag:s10] =	ssyncset.done @!p3 $0x0  }
0x63: {  	s7 =	sadd.s32 $0x118, s7;
	[sflag:s10] =	ssyncadd.s32 @!p3 $0xFFFFE400  }
0x64: {  	[tilespmem:s20], [sflag:$0x6] =	stream.indirect.gather [spmem:s2], $0x80, s7, s11, $0xb8;
	[tilespmem:$0x14598] =	vst v63  }
0x65: {  	_ =	swait.ge [sflag:s21], $0x1C00  }
0x66: {  	[sflag:s21] =	ssyncset.done $0x0  }
0x67: {  	s7 =	sadd.s32 $0xFFFFF900, s14;
	[sflag:s21] =	ssyncadd.s32 $0xFFFFE400  }
0x68: {  	[hbm4b:s7+s3] =	stream.linear.scatter [tilespmem:s13], [sflag:$0x8], $0x1C00, $0x38;
	[tilespmem:$0x14598] =	vst v63  }
0x69: {  	p3 =	seq.s32 s16, $0x1E300;
	_ =	swait.ge [sflag:s22], $0x1C00  }
0x6a: {  	s9 =	simm.s32 @!p3 $0x7A80;
	s7 =	sshra.s32 @!p3 s16, $0x2;
	[sflag:s22] =	ssyncset.done $0x0  }
0x6b: {  	s31 =	simm.s32 @!p3 $0x38;
	s10 =	sadd.s32 @!p3 $0x150, s7;
	[sflag:s22] =	ssyncadd.s32 $0xFFFFE400  }
0x6c: {  	[tilespmem:s9], [sflag:$0x1] =	stream.indirect.gather @!p3 [spmem:s2], $0x80, s10, s31, $0xb8;
	[tilespmem:$0x14598] =	vst v63  }
0x6d: {  	s9 =	sadd.s32 @!p3 $0x188, s7;
	s10 =	sadd.s32 @!p3 $0x1C0, s7;
	_ =	swait.ge [sflag:s23], $0x1C00  }
0x6e: {  	s16 =	smov.u32 s6;
	s7 =	sadd.s32 @!p3 $0x1F8, s7;
	[sflag:s23] =	ssyncset.done $0x0  }
0x6f: {  	s6 =	sadd.s32 $0xFFFFFC80, s14;
	[sflag:s23] =	ssyncadd.s32 $0xFFFFE400  }
0x70: {  	[hbm4b:s6+s3] =	stream.linear.scatter [tilespmem:s15], [sflag:$0x9], $0x1C00, $0x38;
	[tilespmem:$0x14598] =	vst v63  }
0x71: {  	_ =	swait.ge [sflag:s24], $0x1C00  }
0x72: {  	[sflag:s24] =	ssyncset.done $0x0  }
0x73: {  	s6 =	simm.s32 @!p3 $0x9680;
	[sflag:s24] =	ssyncadd.s32 $0xFFFFE400  }
0x74: {  	[tilespmem:s6], [sflag:$0x2] =	stream.indirect.gather @!p3 [spmem:s2], $0x80, s9, s31, $0xb8;
	[tilespmem:$0x14598] =	vst v63  }
0x75: {  	_ =	swait.ge [sflag:s25], $0x1C00  }
0x76: {  	[sflag:s25] =	ssyncset.done $0x0  }
0x77: {  	[sflag:s25] =	ssyncadd.s32 $0xFFFFE400  }
0x78: {  	[hbm4b:s14+s3] =	stream.linear.scatter [tilespmem:s17], [sflag:$0xA], $0x1C00, $0x38;
	[tilespmem:$0x14598] =	vst v63  }
0x79: {  	_ =	swait.ge [sflag:s26], $0x1C00  }
0x7a: {  	[sflag:s26] =	ssyncset.done $0x0  }
0x7b: {  	s6 =	simm.s32 @!p3 $0xB280;
	[sflag:s26] =	ssyncadd.s32 $0xFFFFE400  }
0x7c: {  	[tilespmem:s6], [sflag:$0x3] =	stream.indirect.gather @!p3 [spmem:s2], $0x80, s10, s31, $0xb8;
	[tilespmem:$0x14598] =	vst v63  }
0x7d: {  	_ =	swait.ge [sflag:s28], $0x1C00  }
0x7e: {  	[sflag:s28] =	ssyncset.done $0x0  }
0x7f: {  	s6 =	sadd.s32 $0x380, s14;
	[sflag:s28] =	ssyncadd.s32 $0xFFFFE400  }
0x80: {  	[hbm4b:s6+s3] =	stream.linear.scatter [tilespmem:s18], [sflag:$0xB], $0x1C00, $0x38;
	[tilespmem:$0x14598] =	vst v63  }
0x81: {  	_ =	swait.ge [sflag:s29], $0x1C00  }
.Ltmp0:
0x82: {  	[sflag:s29] =	ssyncset.done $0x0;
	(pc) =	sbr.rel @p2 .LBB2_2-.Ltmp0, $4  }
0x83: {  	s6 =	simm.s32 @!p3 $0xCE80;
	[sflag:s29] =	ssyncadd.s32 $0xFFFFE400  }
0x84: {  	[tilespmem:s6], [sflag:$0x4] =	stream.indirect.gather @!p3 [spmem:s2], $0x80, s7, s31, $0xb8;
	[tilespmem:$0x14598] =	vst v63  }
0x85: {  	s14 =	sadd.s32 $0x1500, s14;
	_ =	swait.ge [sflag:s30], $0x1C00  }
0x86: {  	p3 =	seq.s32 s16, $0x0;
	s7 =	sadd.s32 $0x700, s5;
	[sflag:s30] =	ssyncset.done $0x0  }
0x87: {  	s4 =	simm.s32 @!p3 $0xB;
	[sflag:s30] =	ssyncadd.s32 $0xFFFFE400  }
0x88: {  	[hbm4b:s7+s3] =	stream.linear.scatter [tilespmem:s20], [sflag:$0xC], $0x1C00, $0x38;
	[tilespmem:$0x14598] =	vst v63  }
0x89: {  	_ =	swait.ge @!p3 [sflag:s4], $0x1C00  }
0x8a: {  	s5 =	sshra.s32 s16, $0x2;
	[sflag:s4] =	ssyncset.done @!p3 $0x0  }
0x8b: {  	s10 =	sadd.s32 $0xE0, s5;
	[sflag:s4] =	ssyncadd.s32 @!p3 $0xFFFFE400  }
0x8c: {  	[tilespmem:s18], [sflag:$0x5] =	stream.indirect.gather [spmem:s2], $0x80, s10, s11, $0xb8;
	[tilespmem:$0x14598] =	vst v63  }
0x8d: {  	_ =	swait.ge [sflag:s19], $0x1C00  }
0x8e: {  	[sflag:s19] =	ssyncset.done $0x0  }
0x8f: {  	s31 =	sadd.s32 $0xFFFFF580, s14;
	s6 =	simm.s32 @!p3 $0xC;
	[sflag:s19] =	ssyncadd.s32 $0xFFFFE400  }
0x90: {  	[hbm4b:s31+s3] =	stream.linear.scatter [tilespmem:s12], [sflag:$0x7], $0x1C00, $0x38;
	[tilespmem:$0x14598] =	vst v63  }
0x91: {  	_ =	swait.ge @!p3 [sflag:s6], $0x1C00  }
0x92: {  	[sflag:s6] =	ssyncset.done @!p3 $0x0  }
0x93: {  	[sflag:s6] =	ssyncadd.s32 @!p3 $0xFFFFE400;
	s6 =	sadd.s32 $0x118, s5  }
0x94: {  	[tilespmem:s20], [sflag:$0x6] =	stream.indirect.gather [spmem:s2], $0x80, s6, s11, $0xb8;
	[tilespmem:$0x14598] =	vst v63  }
0x95: {  	_ =	swait.ge [sflag:s21], $0x1C00  }
0x96: {  	[sflag:s21] =	ssyncset.done $0x0  }
0x97: {  	s7 =	sadd.s32 $0xFFFFF900, s14;
	[sflag:s21] =	ssyncadd.s32 $0xFFFFE400  }
0x98: {  	[hbm4b:s7+s3] =	stream.linear.scatter [tilespmem:s13], [sflag:$0x8], $0x1C00, $0x38;
	[tilespmem:$0x14598] =	vst v63  }
0x99: {  	p2 =	seq.s32 s16, $0x1E300;
	_ =	swait.ge [sflag:s22], $0x1C00  }
0x9a: {  	s4 =	sshra.s32 @!p2 s16, $0x2;
	s5 =	simm.s32 @!p2 $0x7A80;
	[sflag:s22] =	ssyncset.done $0x0  }
0x9b: {  	s6 =	sadd.s32 @!p2 $0x150, s4;
	s7 =	simm.s32 @!p2 $0x38;
	[sflag:s22] =	ssyncadd.s32 $0xFFFFE400  }
0x9c: {  	[tilespmem:s5], [sflag:$0x1] =	stream.indirect.gather @!p2 [spmem:s2], $0x80, s6, s7, $0xb8;
	[tilespmem:$0x14598] =	vst v63  }
0x9d: {  	_ =	swait.ge [sflag:s23], $0x1C00  }
0x9e: {  	[sflag:s23] =	ssyncset.done $0x0  }
0x9f: {  	s9 =	sadd.s32 $0xFFFFFC80, s14;
	[sflag:s23] =	ssyncadd.s32 $0xFFFFE400  }
0xa0: {  	[hbm4b:s9+s3] =	stream.linear.scatter [tilespmem:s15], [sflag:$0x9], $0x1C00, $0x38;
	[tilespmem:$0x14598] =	vst v63  }
0xa1: {  	_ =	swait.ge [sflag:s24], $0x1C00  }
0xa2: {  	[sflag:s24] =	ssyncset.done $0x0  }
0xa3: {  	s5 =	sadd.s32 @!p2 $0x188, s4;
	s6 =	simm.s32 @!p2 $0x9680;
	[sflag:s24] =	ssyncadd.s32 $0xFFFFE400  }
0xa4: {  	[tilespmem:s6], [sflag:$0x2] =	stream.indirect.gather @!p2 [spmem:s2], $0x80, s5, s7, $0xb8;
	[tilespmem:$0x14598] =	vst v63  }
0xa5: {  	_ =	swait.ge [sflag:s25], $0x1C00  }
0xa6: {  	[sflag:s25] =	ssyncset.done $0x0  }
0xa7: {  	[sflag:s25] =	ssyncadd.s32 $0xFFFFE400  }
0xa8: {  	[hbm4b:s14+s3] =	stream.linear.scatter [tilespmem:s17], [sflag:$0xA], $0x1C00, $0x38;
	[tilespmem:$0x14598] =	vst v63  }
0xa9: {  	_ =	swait.ge [sflag:s26], $0x1C00  }
0xaa: {  	[sflag:s26] =	ssyncset.done $0x0  }
0xab: {  	s5 =	sadd.s32 @!p2 $0x1C0, s4;
	s6 =	simm.s32 @!p2 $0xB280;
	[sflag:s26] =	ssyncadd.s32 $0xFFFFE400  }
0xac: {  	[tilespmem:s6], [sflag:$0x3] =	stream.indirect.gather @!p2 [spmem:s2], $0x80, s5, s7, $0xb8;
	[tilespmem:$0x14598] =	vst v63  }
0xad: {  	_ =	swait.ge [sflag:s28], $0x1C00  }
0xae: {  	[sflag:s28] =	ssyncset.done $0x0  }
0xaf: {  	s10 =	sadd.s32 $0x380, s14;
	[sflag:s28] =	ssyncadd.s32 $0xFFFFE400  }
0xb0: {  	[hbm4b:s10+s3] =	stream.linear.scatter [tilespmem:s18], [sflag:$0xB], $0x1C00, $0x38;
	[tilespmem:$0x14598] =	vst v63  }
0xb1: {  	_ =	swait.ge [sflag:s29], $0x1C00  }
0xb2: {  	[sflag:s29] =	ssyncset.done $0x0  }
0xb3: {  	s4 =	sadd.s32 @!p2 $0x1F8, s4;
	s5 =	simm.s32 @!p2 $0xCE80;
	[sflag:s29] =	ssyncadd.s32 $0xFFFFE400  }
0xb4: {  	[tilespmem:s5], [sflag:$0x4] =	stream.indirect.gather @!p2 [spmem:s2], $0x80, s4, s7, $0xb8;
	[tilespmem:$0x14598] =	vst v63  }
0xb5: {  	_ =	swait.ge [sflag:s30], $0x1C00  }
0xb6: {  	[sflag:s30] =	ssyncset.done $0x0  }
0xb7: {  	s16 =	simm.s32 $0xB;
	s14 =	sadd.s32 $0x700, s14;
	[sflag:s30] =	ssyncadd.s32 $0xFFFFE400  }
0xb8: {  	[hbm4b:s14+s3] =	stream.linear.scatter [tilespmem:s20], [sflag:$0xC], $0x1C00, $0x38;
	[tilespmem:$0x14598] =	vst v63  }
0xb9: {  	_ =	swait.ge [sflag:s16], $0x1C00  }
0xba: {  	[sflag:s16] =	ssyncset.done $0x0  }
0xbb: {  	[sflag:s16] =	ssyncadd.s32 $0xFFFFE400  }
0xbc: {  	_ =	swait.ge [sflag:s1], $0x1C00  }
0xbd: {  	s4 =	simm.s32 @!p1 $0x0;
	[sflag:s1] =	ssyncset.done $0x0  }
0xbe: {  	s5 =	simm.s32 @!p1 $0x12280;
	s6 =	rddreg [dreg:$0x6];
	[sflag:s1] =	ssyncadd.s32 $0xFFFFE400  }
0xbf: {  	[tilespmem:s5], [sflag:$0xE] =	stream.linear.gather @!p1 [hbm4b:s6+s4], $0x40, $0x38;
	[tilespmem:$0x14598] =	vst v63  }
0xc0: {  	s6 =	simm.s32 @!p1 $0xE  }
0xc1: {  	_ =	swait.ge @!p1 [sflag:s6], $0x40  }
0xc2: {  	[sflag:s6] =	ssyncset.done @!p1 $0x0  }
0xc3: {  	s9 =	simm.s32 @!p1 $0x12300;
	s7 =	simm.s32 @!p1 $0x40;
	[sflag:s6] =	ssyncadd.s32 @!p1 $0xFFFFFFC0  }
0xc4: {  	[tilespmem:s9], [sflag:$0xD] =	stream.indirect.gather @!p1 [spmem:s2], $0x80, s5, s7, $0xb8;
	[tilespmem:$0x14598] =	vst v63  }
0xc5: {  	s5 =	simm.s32 @!p1 $0xD  }
0xc6: {  	_ =	swait.ge @!p1 [sflag:s5], $0x2000  }
0xc7: {  	[sflag:s5] =	ssyncset.done @!p1 $0x0  }
0xc8: {  	[sflag:s5] =	ssyncadd.s32 @!p1 $0xFFFFE000;
	s5 =	rddreg [dreg:$0x7]  }
0xc9: {  	[hbm4b:s5+s4] =	stream.linear.scatter @!p1 [tilespmem:s9], [sflag:$0xE], $0x2000, $0x38;
	[tilespmem:$0x14598] =	vst v63  }
0xca: {  	_ =	swait.ge @!p1 [sflag:s6], $0x2000  }
0xcb: {  	s0 =	sadd.s32 $0x1, s0;
	s31 =	rddreg [dreg:$0x8]  }
0xcc: {  	p2 =	sne.s32 s0, s31  }
.Ltmp1:
0xcd: {  	_ = 	snop;
	(pc) =	sbr.rel @p2 .LBB2_1-.Ltmp1, $3  }
0xce: {  	_ =	sdelay $0x1  }
0xcf: {  	[sflag:s6] =	ssyncset.done @!p1 $0x0  }
0xd0: {  	[sflag:s6] =	ssyncadd.s32 @!p1 $0xFFFFE000  }
0xd1: {  	_ =	sfence.sel $0x180000  }
0xd2: {  	[bflag:$0x0] =	sbarrier.arrive $0xFFFF  }
0xd3: {  	_ =	strace $0x90000047  }
0xd4: {  	[bflag:$0x2] =	sbarrier.arrive $0xFFFF  }
0xd5: {  	s0 =	rddreg [dreg:$0x4]  }
0xd6: {  	s0 =	sadd.s32 @!p0 $0x100000, s0  }
0xd7: {  	[sflag:s0] =	ssyncadd.tile.s32 @!p0 $0x1;
	_ =	shalt  }
.Lfunc_end2:
_tile_overlayer_lowered:
.L_overlay_start_2:
0xd8: {  	(tag) =	ssettag $0x2  }
0xd9: {  	s0 =	rddreg [dreg:$0x0];
	s2 =	stileid.u32  }
0xda: {  	s1 =	rddreg [dreg:$0x1];
	p0 =	sne.s32 s2, $0x0  }
0xdb: {  	s3 =	rddreg [dreg:$0x2];
	[bflag:$0x3] =	sbarrier.arrive $0xFFFF;
	s2 =	simm.s32 @!p0 $0x1C0E  }
0xdc: {  	[timem:s3], [sflag:s2] =	dma.local @!p0 [hbm:s0], s1  }
0xdd: {  	s0 =	simm.s32 @!p0 $0xE  }
0xde: {  	_ =	swait.ge @!p0 [sflag:s0], s1  }
0xdf: {  	s1 =	ssub.s32 @!p0 $0x0, s1;
	[sflag:s0] =	ssyncset.done @!p0 $0x0  }
0xe0: {  	[sflag:s0] =	ssyncadd.s32 @!p0 s1  }
0xe1: {  	[bflag:$0x3] =	sbarrier.arrive $0xFFFF  }
0xe2: {  	_ =	shalt  }

</sc_bundles>
